<compile_context>
chip_gen: v7x
topology: tpu7x:2x2x1
jax: 0.10.2.dev20260603
libtpu: 0.0.44.dev20260713+nightly
codegen_flags: <defaults>
</compile_context>

<pallas_src>
import functools
import jax
import jax.numpy as jnp
from jax import lax
from jax.experimental import pallas as pl
from jax.experimental.pallas import tpu as pltpu
from jax.experimental.pallas import tpu_sc as plsc

N_ENT = 4096
N_REL = 200
DIM = 64
B = 128
NIDX = 4 * B
ALPHA = 0.1
MARGIN = 1.0

SC_CORES = 2
SC_SUBCORES = 16
NW = SC_CORES * SC_SUBCORES
RPW = NIDX // NW
REL_ROWS = B // (NW // 2)


def _sc_gather_body(p_hbm, ent0_hbm, ent1_hbm, idx1_hbm, idx2_hbm,
                    g_out, e1_out, e2_out,
                    idx1c_v, idx2c_v, pidx1_v, pidx2_v,
                    rows_v, e1_v, e2_v, sems):
    wid = lax.axis_index("s") * SC_CORES + lax.axis_index("c")
    base = wid * RPW

    pltpu.sync_copy(idx1_hbm.at[pl.ds(base, RPW)], idx1c_v)
    pltpu.sync_copy(idx2_hbm.at[pl.ds(base, RPW)], idx2c_v)

    pidx1_v[...] = lax.shift_right_logical(idx1c_v[...], 1)
    pidx2_v[...] = lax.shift_right_logical(idx2c_v[...], 1)

    cp_g = pltpu.async_copy(p_hbm.at[idx1c_v], rows_v, sems.at[0])
    cp_e1 = pltpu.async_copy(ent0_hbm.at[pidx1_v], e1_v, sems.at[1])
    cp_e2 = pltpu.async_copy(ent1_hbm.at[pidx2_v], e2_v, sems.at[2])

    cp_g.wait()
    cp_e1.wait()
    cp_e2.wait()

    pltpu.sync_copy(rows_v, g_out.at[pl.ds(base, RPW)])
    pltpu.sync_copy(e1_v, e1_out.at[pl.ds(base, RPW)])
    pltpu.sync_copy(e2_v, e2_out.at[pl.ds(base, RPW)])


@functools.lru_cache(maxsize=None)
def _make_sc_gather():
    return functools.partial(
        pl.kernel,
        out_type=(
            jax.ShapeDtypeStruct((NIDX, N_ENT), jnp.float32),
            jax.ShapeDtypeStruct((NIDX, 128), jnp.float32),
            jax.ShapeDtypeStruct((NIDX, 128), jnp.float32),
        ),
        mesh=plsc.VectorSubcoreMesh(core_axis_name="c", subcore_axis_name="s"),
        scratch_types=[
            pltpu.VMEM((RPW,), jnp.int32),
            pltpu.VMEM((RPW,), jnp.int32),
            pltpu.VMEM((RPW,), jnp.int32),
            pltpu.VMEM((RPW,), jnp.int32),
            pltpu.VMEM((RPW, N_ENT), jnp.float32),
            pltpu.VMEM((RPW, 128), jnp.float32),
            pltpu.VMEM((RPW, 128), jnp.float32),
            pltpu.SemaphoreType.DMA((3,)),
        ],
    )(_sc_gather_body)


def _onehot_rows(idx_col, n_cols):
    cols = lax.broadcasted_iota(jnp.int32, (idx_col.shape[0], n_cols), 1)
    return jnp.where(cols == idx_col, jnp.float32(1.0), jnp.float32(0.0))


def _tc_body(g_hbm, e1r, e2r, rel0f, rel1f, idx2r, par1, par2, r0c, r1c,
             out, g_v, sem):
    cp_g = pltpu.make_async_copy(g_hbm, g_v, sem)
    cp_g.start()

    e1p = e1r[...]
    e2p = e2r[...]
    e1 = jnp.where(par1[...] == 0,
                   lax.slice(e1p, (0, 0), (NIDX, DIM)),
                   lax.slice(e1p, (0, DIM), (NIDX, 2 * DIM)))
    e2 = jnp.where(par2[...] == 0,
                   lax.slice(e2p, (0, 0), (NIDX, DIM)),
                   lax.slice(e2p, (0, DIM), (NIDX, 2 * DIM)))
    a = jnp.sum(e1 * e1, axis=1, keepdims=True)
    b = jnp.sum(e2 * e2, axis=1, keepdims=True)
    ones = jnp.ones((NIDX, 1), jnp.float32)
    zeros = jnp.zeros((NIDX, 128 - 2 - DIM), jnp.float32)
    c_mat = jnp.concatenate([ones, b, e2, zeros], axis=1)
    u_mat = jnp.concatenate([a, ones, -2.0 * e1, zeros], axis=1)
    rows_iota = lax.broadcasted_iota(jnp.int32, (N_ENT, NIDX), 0)
    o2t = jnp.where(rows_iota == idx2r[...], jnp.float32(1.0), jnp.float32(0.0))
    w_mat = jnp.dot(o2t, c_mat, preferred_element_type=jnp.float32)

    rows64 = lax.broadcasted_iota(jnp.int32, (DIM, DIM * DIM), 0)
    colmod = lax.broadcasted_iota(jnp.int32, (DIM, DIM * DIM), 1) % DIM
    tile_m = jnp.where(colmod == rows64, jnp.float32(1.0), jnp.float32(0.0))
    segrows = lax.broadcasted_iota(jnp.int32, (DIM * DIM, DIM), 0) // DIM
    segcols = lax.broadcasted_iota(jnp.int32, (DIM * DIM, DIM), 1)
    seg_m = jnp.where(segrows == segcols, jnp.float32(1.0), jnp.float32(0.0))

    def rescal(ev, relf, r_i):
        rg = jnp.dot(_onehot_rows(r_i, N_REL), relf,
                     preferred_element_type=jnp.float32)
        h = lax.slice(ev, (0, 0), (B, DIM))
        t = lax.slice(ev, (B, 0), (2 * B, DIM))
        nh = lax.slice(ev, (2 * B, 0), (3 * B, DIM))
        nt = lax.slice(ev, (3 * B, 0), (4 * B, DIM))

        def score(hv, tv):
            trep = jnp.dot(tv, tile_m, preferred_element_type=jnp.float32)
            tmp = jnp.dot(rg * trep, seg_m, preferred_element_type=jnp.float32)
            return jnp.sum(hv * tmp, axis=1)

        return jnp.mean(jax.nn.relu(MARGIN + score(nh, nt) - score(h, t)))

    l0 = rescal(e1, rel0f[...], r0c[...])
    l1 = rescal(e2, rel1f[...], r1c[...])

    cp_g.wait()
    m = jnp.dot(g_v[...], w_mat, preferred_element_type=jnp.float32)
    ot = jnp.sum(m * u_mat)

    lane = lax.broadcasted_iota(jnp.int32, (1, 128), 1)
    out[...] = jnp.where(lane == 0, l0,
                         jnp.where(lane == 1, l1,
                                   jnp.where(lane == 2, ALPHA * ot, 0.0)))


@jax.jit
def kernel(heads_0, tails_0, n_heads_0, n_tails_0, rels_0,
           heads_1, tails_1, n_heads_1, n_tails_1, rels_1,
           ent_emb_0, rel_emb_0, ent_emb_1, rel_emb_1, P):
    idx1 = jnp.concatenate([heads_0, tails_0, n_heads_0, n_tails_0]).astype(jnp.int32)
    idx2 = jnp.concatenate([heads_1, tails_1, n_heads_1, n_tails_1]).astype(jnp.int32)
    rel0f = jnp.reshape(rel_emb_0, (N_REL, DIM * DIM))
    rel1f = jnp.reshape(rel_emb_1, (N_REL, DIM * DIM))

    ent0p = jnp.reshape(ent_emb_0, (N_ENT // 2, 2 * DIM))
    ent1p = jnp.reshape(ent_emb_1, (N_ENT // 2, 2 * DIM))
    g_rows, e1, e2 = _make_sc_gather()(P, ent0p, ent1p, idx1, idx2)

    vmem = pl.BlockSpec(memory_space=pltpu.VMEM)
    out = pl.pallas_call(
        _tc_body,
        in_specs=[pl.BlockSpec(memory_space=pltpu.MemorySpace.HBM),
                  vmem, vmem, vmem, vmem, vmem, vmem, vmem, vmem, vmem],
        out_specs=vmem,
        out_shape=jax.ShapeDtypeStruct((1, 128), jnp.float32),
        scratch_shapes=[
            pltpu.VMEM((NIDX, N_ENT), jnp.float32),
            pltpu.SemaphoreType.DMA,
        ],
    )(g_rows, e1, e2, rel0f, rel1f, jnp.reshape(idx2, (1, NIDX)),
      jnp.reshape(idx1 % 2, (NIDX, 1)), jnp.reshape(idx2 % 2, (NIDX, 1)),
      jnp.reshape(rels_0.astype(jnp.int32), (B, 1)),
      jnp.reshape(rels_1.astype(jnp.int32), (B, 1)))
    return (out[0, :2], out[0, 2])

# --- scband reference (transcript-rebuilt; emitter-appended) ---
"""Pipeline reference for scband-mul-ot-rescal-35734127902881 (READ-ONLY COPY).

The authoritative reference and input builder live on the scoring server;
editing this copy changes nothing except your own understanding.
"""

import jax, jax.numpy as jnp
import numpy as np

N_ENT = 4096
N_REL = 200
DIM = 64
B = 128
ALPHA = 0.1
MARGIN = 1.0


def setup_inputs(seed: int = 0):
    key = jax.random.key(seed)
    ks = jax.random.split(key, 20)
    inp = {}
    c = 0
    for m in range(2):
        for nm in ["heads", "tails", "n_heads", "n_tails"]:
            inp[f"{nm}_{m}"] = jax.random.randint(ks[c], (B,), 0, N_ENT)
            c += 1
        inp[f"rels_{m}"] = jax.random.randint(ks[c], (B,), 0, N_REL)
        c += 1
    inp["ent_emb_0"] = 0.1 * jax.random.normal(ks[c], (N_ENT, DIM), dtype=jnp.float32); c += 1
    inp["rel_emb_0"] = 0.1 * jax.random.normal(ks[c], (N_REL, DIM, DIM), dtype=jnp.float32); c += 1
    inp["ent_emb_1"] = 0.1 * jax.random.normal(ks[c], (N_ENT, DIM), dtype=jnp.float32); c += 1
    inp["rel_emb_1"] = 0.1 * jax.random.normal(ks[c], (N_REL, DIM, DIM), dtype=jnp.float32); c += 1
    P = jax.random.uniform(ks[c], (N_ENT, N_ENT), dtype=jnp.float32); c += 1
    inp["P"] = P / jnp.sum(P)
    return inp


def _rescal_loss(ent, rel, heads, tails, n_heads, n_tails, rels):
    R = rel[rels]
    h = ent[heads]
    t = ent[tails]
    nh = ent[n_heads]
    nt = ent[n_tails]
    pos = jnp.sum(h * jnp.einsum('bij,bj->bi', R, t), axis=-1)
    neg = jnp.sum(nh * jnp.einsum('bij,bj->bi', R, nt), axis=-1)
    return jnp.mean(jax.nn.relu(MARGIN + neg - pos))


def _ot_cost(ent1, ent2, idx1, idx2, P):
    e1 = ent1[idx1][:, None, :]
    e2 = ent2[idx2][None, :, :]
    norm = jnp.sum((e1 - e2) ** 2, axis=-1)
    P_sliced = P[idx1][:, idx2]
    return jnp.sum(norm * P_sliced)


def reference(heads_0, tails_0, n_heads_0, n_tails_0, rels_0,
              heads_1, tails_1, n_heads_1, n_tails_1, rels_1,
              ent_emb_0, rel_emb_0, ent_emb_1, rel_emb_1, P):
    l0 = _rescal_loss(ent_emb_0, rel_emb_0, heads_0, tails_0, n_heads_0, n_tails_0, rels_0)
    l1 = _rescal_loss(ent_emb_1, rel_emb_1, heads_1, tails_1, n_heads_1, n_tails_1, rels_1)
    idx1 = jnp.concatenate([heads_0, tails_0, n_heads_0, n_tails_0], axis=0)
    idx2 = jnp.concatenate([heads_1, tails_1, n_heads_1, n_tails_1], axis=0)
    w_loss = ALPHA * _ot_cost(ent_emb_0, ent_emb_1, idx1, idx2, P)
    return (jnp.stack([l0, l1]), w_loss)

if __name__ == "__main__":
    import jax
    _d = setup_inputs()
    print(jax.jit(kernel)(*tuple(_d.values())))

</pallas_src>

<mosaic_0001>
#map = affine_map<(d0, d1) -> (0, 0)>
#map1 = affine_map<(d0, d1) -> (0)>
module attributes {stable_mosaic.version = 14 : i64} {
  func.func @_sc_gather_body(%arg0: i32, %arg1: i32, %arg2: memref<4096x4096xf32, #tpu.memory_space<hbm>>, %arg3: memref<2048x128xf32, #tpu.memory_space<hbm>>, %arg4: memref<2048x128xf32, #tpu.memory_space<hbm>>, %arg5: memref<512xi32, #tpu.memory_space<hbm>>, %arg6: memref<512xi32, #tpu.memory_space<hbm>>, %arg7: memref<512x4096xf32, #tpu.memory_space<hbm>>, %arg8: memref<512x128xf32, #tpu.memory_space<hbm>>, %arg9: memref<512x128xf32, #tpu.memory_space<hbm>>, %arg10: memref<16xi32, #tpu.memory_space<vmem>>, %arg11: memref<16xi32, #tpu.memory_space<vmem>>, %arg12: memref<16xi32, #tpu.memory_space<vmem>>, %arg13: memref<16xi32, #tpu.memory_space<vmem>>, %arg14: memref<16x4096xf32, #tpu.memory_space<vmem>>, %arg15: memref<16x128xf32, #tpu.memory_space<vmem>>, %arg16: memref<16x128xf32, #tpu.memory_space<vmem>>, %arg17: memref<3x!tpu.dma_semaphore, #tpu.memory_space<semaphore_mem>>) attributes {dimension_semantics = [#tpu.dimension_semantics<core_parallel>, #tpu.dimension_semantics<subcore_parallel>], iteration_bounds = array<i64: 2, 16>, scalar_prefetch = 0 : i64, scratch_operands = 8 : i64, tpu.core_type = #tpu.core_type<sc_vector_subcore>, window_params = [{transform_indices = #map}, {transform_indices = #map}, {transform_indices = #map}, {transform_indices = #map1}, {transform_indices = #map1}, {transform_indices = #map}, {transform_indices = #map}, {transform_indices = #map}]} {
    %mul3A = arith.constant 2 : i32
    %mul3A_0 = arith.muli %arg1, %mul3A : i32
    %add3A = arith.addi %mul3A_0, %arg0 : i32
    %mul3A_1 = arith.constant 16 : i32
    %mul3A_2 = arith.muli %add3A, %mul3A_1 : i32
    "tpu.region"() ({
      %run_scoped3A = tpu.sem_alloc : memref<!tpu.dma_semaphore, #tpu.memory_space<semaphore_mem>>
      %dma_start3A_54 = tpu.memref_slice %arg5[%mul3A_2] : memref<512xi32, #tpu.memory_space<hbm>> -> memref<16xi32, #tpu.memory_space<hbm>>
      %dma_start3A_55 = tpu.memref_slice %arg5[%mul3A_2] : memref<512xi32, #tpu.memory_space<hbm>> -> memref<16xi32, #tpu.memory_space<hbm>>
      tpu.enqueue_dma source(%dma_start3A_55 : memref<16xi32, #tpu.memory_space<hbm>>) target(%arg10 : memref<16xi32, #tpu.memory_space<vmem>>) target_semaphore(%run_scoped3A : memref<!tpu.dma_semaphore, #tpu.memory_space<semaphore_mem>>)
      %dma_wait3A_56 = tpu.memref_slice %arg5[%mul3A_2] : memref<512xi32, #tpu.memory_space<hbm>> -> memref<16xi32, #tpu.memory_space<hbm>>
      %dma_wait3A_57 = tpu.memref_slice %arg5[%mul3A_2] : memref<512xi32, #tpu.memory_space<hbm>> -> memref<16xi32, #tpu.memory_space<hbm>>
      tpu.wait_dma2 semaphore(%run_scoped3A : memref<!tpu.dma_semaphore, #tpu.memory_space<semaphore_mem>>) src(%dma_wait3A_57 : memref<16xi32, #tpu.memory_space<hbm>>) dst(%arg10 : memref<16xi32, #tpu.memory_space<vmem>>)
      tpu.yield
    }) : () -> ()
    "tpu.region"() ({
      %run_scoped3A = tpu.sem_alloc : memref<!tpu.dma_semaphore, #tpu.memory_space<semaphore_mem>>
      %dma_start3A_54 = tpu.memref_slice %arg6[%mul3A_2] : memref<512xi32, #tpu.memory_space<hbm>> -> memref<16xi32, #tpu.memory_space<hbm>>
      %dma_start3A_55 = tpu.memref_slice %arg6[%mul3A_2] : memref<512xi32, #tpu.memory_space<hbm>> -> memref<16xi32, #tpu.memory_space<hbm>>
      tpu.enqueue_dma source(%dma_start3A_55 : memref<16xi32, #tpu.memory_space<hbm>>) target(%arg11 : memref<16xi32, #tpu.memory_space<vmem>>) target_semaphore(%run_scoped3A : memref<!tpu.dma_semaphore, #tpu.memory_space<semaphore_mem>>)
      %dma_wait3A_56 = tpu.memref_slice %arg6[%mul3A_2] : memref<512xi32, #tpu.memory_space<hbm>> -> memref<16xi32, #tpu.memory_space<hbm>>
      %dma_wait3A_57 = tpu.memref_slice %arg6[%mul3A_2] : memref<512xi32, #tpu.memory_space<hbm>> -> memref<16xi32, #tpu.memory_space<hbm>>
      tpu.wait_dma2 semaphore(%run_scoped3A : memref<!tpu.dma_semaphore, #tpu.memory_space<semaphore_mem>>) src(%dma_wait3A_57 : memref<16xi32, #tpu.memory_space<hbm>>) dst(%arg11 : memref<16xi32, #tpu.memory_space<vmem>>)
      tpu.yield
    }) : () -> ()
    %get3A = arith.constant 0 : index
    %get3A_3 = tpu.vector_load %arg10[%get3A] {strides = array<i32>} : memref<16xi32, #tpu.memory_space<vmem>>, vector<16xi32>,
    %get3A_4 = vector.shape_cast %get3A_3 : vector<16xi32> to vector<16xi32>
    %shift_right_logical3A = arith.constant 1 : i32
    %shift_right_logical3A_5 = vector.broadcast %shift_right_logical3A : i32 to vector<16xi32>
    %shift_right_logical3A_6 = arith.shrui %get3A_4, %shift_right_logical3A_5 : vector<16xi32>
    %swap3A = arith.constant 0 : index
    %swap3A_7 = tpu.vector_load %arg12[%swap3A] {strides = array<i32>} : memref<16xi32, #tpu.memory_space<vmem>>, vector<16xi32>,
    %swap3A_8 = vector.shape_cast %swap3A_7 : vector<16xi32> to vector<16xi32>
    %swap3A_9 = vector.shape_cast %shift_right_logical3A_6 : vector<16xi32> to vector<16xi32>
    tpu.vector_store %arg12[%swap3A], %swap3A_9 {strides = array<i32>} : memref<16xi32, #tpu.memory_space<vmem>>, vector<16xi32>,
    %get3A_10 = arith.constant 0 : index
    %get3A_11 = tpu.vector_load %arg11[%get3A_10] {strides = array<i32>} : memref<16xi32, #tpu.memory_space<vmem>>, vector<16xi32>,
    %get3A_12 = vector.shape_cast %get3A_11 : vector<16xi32> to vector<16xi32>
    %shift_right_logical3A_13 = arith.constant 1 : i32
    %shift_right_logical3A_14 = vector.broadcast %shift_right_logical3A_13 : i32 to vector<16xi32>
    %shift_right_logical3A_15 = arith.shrui %get3A_12, %shift_right_logical3A_14 : vector<16xi32>
    %swap3A_16 = arith.constant 0 : index
    %swap3A_17 = tpu.vector_load %arg13[%swap3A_16] {strides = array<i32>} : memref<16xi32, #tpu.memory_space<vmem>>, vector<16xi32>,
    %swap3A_18 = vector.shape_cast %swap3A_17 : vector<16xi32> to vector<16xi32>
    %swap3A_19 = vector.shape_cast %shift_right_logical3A_15 : vector<16xi32> to vector<16xi32>
    tpu.vector_store %arg13[%swap3A_16], %swap3A_19 {strides = array<i32>} : memref<16xi32, #tpu.memory_space<vmem>>, vector<16xi32>,
    %dma_start3A = arith.constant 0 : i32
    %dma_start3A_20 = arith.constant 0 : i32
    %dma_start3A_21 = arith.constant 0 : i32
    %dma_start3A_22 = tpu.memref_slice %arg2[%dma_start3A_20, %dma_start3A_21] : memref<4096x4096xf32, #tpu.memory_space<hbm>> -> memref<4096x4096xf32, #tpu.memory_space<hbm>>
    %dma_start3A_23 = tpu.memref_slice %arg17[%dma_start3A] : memref<3x!tpu.dma_semaphore, #tpu.memory_space<semaphore_mem>> -> memref<1x!tpu.dma_semaphore, #tpu.memory_space<semaphore_mem>>
    %dma_start3A_24 = tpu.memref_squeeze %dma_start3A_23 : memref<1x!tpu.dma_semaphore, #tpu.memory_space<semaphore_mem>> -> memref<!tpu.dma_semaphore, #tpu.memory_space<semaphore_mem>>
    tpu.enqueue_indirect_dma source(%dma_start3A_22 : memref<4096x4096xf32, #tpu.memory_space<hbm>>) target(%arg14 : memref<16x4096xf32, #tpu.memory_space<vmem>>) offsets(%arg10 : memref<16xi32, #tpu.memory_space<vmem>>) semaphore(%dma_start3A_24 : memref<!tpu.dma_semaphore, #tpu.memory_space<semaphore_mem>>)
    %dma_start3A_25 = arith.constant 1 : i32
    %dma_start3A_26 = arith.constant 0 : i32
    %dma_start3A_27 = arith.constant 0 : i32
    %dma_start3A_28 = tpu.memref_slice %arg3[%dma_start3A_26, %dma_start3A_27] : memref<2048x128xf32, #tpu.memory_space<hbm>> -> memref<2048x128xf32, #tpu.memory_space<hbm>>
    %dma_start3A_29 = tpu.memref_slice %arg17[%dma_start3A_25] : memref<3x!tpu.dma_semaphore, #tpu.memory_space<semaphore_mem>> -> memref<1x!tpu.dma_semaphore, #tpu.memory_space<semaphore_mem>>
    %dma_start3A_30 = tpu.memref_squeeze %dma_start3A_29 : memref<1x!tpu.dma_semaphore, #tpu.memory_space<semaphore_mem>> -> memref<!tpu.dma_semaphore, #tpu.memory_space<semaphore_mem>>
    tpu.enqueue_indirect_dma source(%dma_start3A_28 : memref<2048x128xf32, #tpu.memory_space<hbm>>) target(%arg15 : memref<16x128xf32, #tpu.memory_space<vmem>>) offsets(%arg12 : memref<16xi32, #tpu.memory_space<vmem>>) semaphore(%dma_start3A_30 : memref<!tpu.dma_semaphore, #tpu.memory_space<semaphore_mem>>)
    %dma_start3A_31 = arith.constant 2 : i32
    %dma_start3A_32 = arith.constant 0 : i32
    %dma_start3A_33 = arith.constant 0 : i32
    %dma_start3A_34 = tpu.memref_slice %arg4[%dma_start3A_32, %dma_start3A_33] : memref<2048x128xf32, #tpu.memory_space<hbm>> -> memref<2048x128xf32, #tpu.memory_space<hbm>>
    %dma_start3A_35 = tpu.memref_slice %arg17[%dma_start3A_31] : memref<3x!tpu.dma_semaphore, #tpu.memory_space<semaphore_mem>> -> memref<1x!tpu.dma_semaphore, #tpu.memory_space<semaphore_mem>>
    %dma_start3A_36 = tpu.memref_squeeze %dma_start3A_35 : memref<1x!tpu.dma_semaphore, #tpu.memory_space<semaphore_mem>> -> memref<!tpu.dma_semaphore, #tpu.memory_space<semaphore_mem>>
    tpu.enqueue_indirect_dma source(%dma_start3A_34 : memref<2048x128xf32, #tpu.memory_space<hbm>>) target(%arg16 : memref<16x128xf32, #tpu.memory_space<vmem>>) offsets(%arg13 : memref<16xi32, #tpu.memory_space<vmem>>) semaphore(%dma_start3A_36 : memref<!tpu.dma_semaphore, #tpu.memory_space<semaphore_mem>>)
    %dma_wait3A = arith.constant 0 : i32
    %dma_wait3A_37 = arith.constant 0 : i32
    %dma_wait3A_38 = arith.constant 0 : i32
    %dma_wait3A_39 = tpu.memref_slice %arg2[%dma_wait3A_37, %dma_wait3A_38] : memref<4096x4096xf32, #tpu.memory_space<hbm>> -> memref<4096x4096xf32, #tpu.memory_space<hbm>>
    %dma_wait3A_40 = tpu.memref_slice %arg17[%dma_wait3A] : memref<3x!tpu.dma_semaphore, #tpu.memory_space<semaphore_mem>> -> memref<1x!tpu.dma_semaphore, #tpu.memory_space<semaphore_mem>>
    %dma_wait3A_41 = tpu.memref_squeeze %dma_wait3A_40 : memref<1x!tpu.dma_semaphore, #tpu.memory_space<semaphore_mem>> -> memref<!tpu.dma_semaphore, #tpu.memory_space<semaphore_mem>>
    tpu.wait_indirect_dma semaphore(%dma_wait3A_41 : memref<!tpu.dma_semaphore, #tpu.memory_space<semaphore_mem>>) src(%dma_wait3A_39 : memref<4096x4096xf32, #tpu.memory_space<hbm>>) dst(%arg14 : memref<16x4096xf32, #tpu.memory_space<vmem>>)
    %dma_wait3A_42 = arith.constant 1 : i32
    %dma_wait3A_43 = arith.constant 0 : i32
    %dma_wait3A_44 = arith.constant 0 : i32
    %dma_wait3A_45 = tpu.memref_slice %arg3[%dma_wait3A_43, %dma_wait3A_44] : memref<2048x128xf32, #tpu.memory_space<hbm>> -> memref<2048x128xf32, #tpu.memory_space<hbm>>
    %dma_wait3A_46 = tpu.memref_slice %arg17[%dma_wait3A_42] : memref<3x!tpu.dma_semaphore, #tpu.memory_space<semaphore_mem>> -> memref<1x!tpu.dma_semaphore, #tpu.memory_space<semaphore_mem>>
    %dma_wait3A_47 = tpu.memref_squeeze %dma_wait3A_46 : memref<1x!tpu.dma_semaphore, #tpu.memory_space<semaphore_mem>> -> memref<!tpu.dma_semaphore, #tpu.memory_space<semaphore_mem>>
    tpu.wait_indirect_dma semaphore(%dma_wait3A_47 : memref<!tpu.dma_semaphore, #tpu.memory_space<semaphore_mem>>) src(%dma_wait3A_45 : memref<2048x128xf32, #tpu.memory_space<hbm>>) dst(%arg15 : memref<16x128xf32, #tpu.memory_space<vmem>>)
    %dma_wait3A_48 = arith.constant 2 : i32
    %dma_wait3A_49 = arith.constant 0 : i32
    %dma_wait3A_50 = arith.constant 0 : i32
    %dma_wait3A_51 = tpu.memref_slice %arg4[%dma_wait3A_49, %dma_wait3A_50] : memref<2048x128xf32, #tpu.memory_space<hbm>> -> memref<2048x128xf32, #tpu.memory_space<hbm>>
    %dma_wait3A_52 = tpu.memref_slice %arg17[%dma_wait3A_48] : memref<3x!tpu.dma_semaphore, #tpu.memory_space<semaphore_mem>> -> memref<1x!tpu.dma_semaphore, #tpu.memory_space<semaphore_mem>>
    %dma_wait3A_53 = tpu.memref_squeeze %dma_wait3A_52 : memref<1x!tpu.dma_semaphore, #tpu.memory_space<semaphore_mem>> -> memref<!tpu.dma_semaphore, #tpu.memory_space<semaphore_mem>>
    tpu.wait_indirect_dma semaphore(%dma_wait3A_53 : memref<!tpu.dma_semaphore, #tpu.memory_space<semaphore_mem>>) src(%dma_wait3A_51 : memref<2048x128xf32, #tpu.memory_space<hbm>>) dst(%arg16 : memref<16x128xf32, #tpu.memory_space<vmem>>)
    "tpu.region"() ({
      %run_scoped3A = tpu.sem_alloc : memref<!tpu.dma_semaphore, #tpu.memory_space<semaphore_mem>>
      %dma_start3A_54 = arith.constant 0 : i32
      %dma_start3A_55 = tpu.memref_slice %arg7[%mul3A_2, %dma_start3A_54] : memref<512x4096xf32, #tpu.memory_space<hbm>> -> memref<16x4096xf32, #tpu.memory_space<hbm>>
      %dma_start3A_56 = arith.constant 0 : i32
      %dma_start3A_57 = tpu.memref_slice %arg7[%mul3A_2, %dma_start3A_56] : memref<512x4096xf32, #tpu.memory_space<hbm>> -> memref<16x4096xf32, #tpu.memory_space<hbm>>
      tpu.enqueue_dma source(%arg14 : memref<16x4096xf32, #tpu.memory_space<vmem>>) target(%dma_start3A_57 : memref<16x4096xf32, #tpu.memory_space<hbm>>) target_semaphore(%run_scoped3A : memref<!tpu.dma_semaphore, #tpu.memory_space<semaphore_mem>>)
      %dma_wait3A_58 = arith.constant 0 : i32
      %dma_wait3A_59 = tpu.memref_slice %arg7[%mul3A_2, %dma_wait3A_58] : memref<512x4096xf32, #tpu.memory_space<hbm>> -> memref<16x4096xf32, #tpu.memory_space<hbm>>
      %dma_wait3A_60 = arith.constant 0 : i32
      %dma_wait3A_61 = tpu.memref_slice %arg7[%mul3A_2, %dma_wait3A_60] : memref<512x4096xf32, #tpu.memory_space<hbm>> -> memref<16x4096xf32, #tpu.memory_space<hbm>>
      tpu.wait_dma2 semaphore(%run_scoped3A : memref<!tpu.dma_semaphore, #tpu.memory_space<semaphore_mem>>) src(%arg14 : memref<16x4096xf32, #tpu.memory_space<vmem>>) dst(%dma_wait3A_61 : memref<16x4096xf32, #tpu.memory_space<hbm>>)
      tpu.yield
    }) : () -> ()
    "tpu.region"() ({
      %run_scoped3A = tpu.sem_alloc : memref<!tpu.dma_semaphore, #tpu.memory_space<semaphore_mem>>
      %dma_start3A_54 = arith.constant 0 : i32
      %dma_start3A_55 = tpu.memref_slice %arg8[%mul3A_2, %dma_start3A_54] : memref<512x128xf32, #tpu.memory_space<hbm>> -> memref<16x128xf32, #tpu.memory_space<hbm>>
      %dma_start3A_56 = arith.constant 0 : i32
      %dma_start3A_57 = tpu.memref_slice %arg8[%mul3A_2, %dma_start3A_56] : memref<512x128xf32, #tpu.memory_space<hbm>> -> memref<16x128xf32, #tpu.memory_space<hbm>>
      tpu.enqueue_dma source(%arg15 : memref<16x128xf32, #tpu.memory_space<vmem>>) target(%dma_start3A_57 : memref<16x128xf32, #tpu.memory_space<hbm>>) target_semaphore(%run_scoped3A : memref<!tpu.dma_semaphore, #tpu.memory_space<semaphore_mem>>)
      %dma_wait3A_58 = arith.constant 0 : i32
      %dma_wait3A_59 = tpu.memref_slice %arg8[%mul3A_2, %dma_wait3A_58] : memref<512x128xf32, #tpu.memory_space<hbm>> -> memref<16x128xf32, #tpu.memory_space<hbm>>
      %dma_wait3A_60 = arith.constant 0 : i32
      %dma_wait3A_61 = tpu.memref_slice %arg8[%mul3A_2, %dma_wait3A_60] : memref<512x128xf32, #tpu.memory_space<hbm>> -> memref<16x128xf32, #tpu.memory_space<hbm>>
      tpu.wait_dma2 semaphore(%run_scoped3A : memref<!tpu.dma_semaphore, #tpu.memory_space<semaphore_mem>>) src(%arg15 : memref<16x128xf32, #tpu.memory_space<vmem>>) dst(%dma_wait3A_61 : memref<16x128xf32, #tpu.memory_space<hbm>>)
      tpu.yield
    }) : () -> ()
    "tpu.region"() ({
      %run_scoped3A = tpu.sem_alloc : memref<!tpu.dma_semaphore, #tpu.memory_space<semaphore_mem>>
      %dma_start3A_54 = arith.constant 0 : i32
      %dma_start3A_55 = tpu.memref_slice %arg9[%mul3A_2, %dma_start3A_54] : memref<512x128xf32, #tpu.memory_space<hbm>> -> memref<16x128xf32, #tpu.memory_space<hbm>>
      %dma_start3A_56 = arith.constant 0 : i32
      %dma_start3A_57 = tpu.memref_slice %arg9[%mul3A_2, %dma_start3A_56] : memref<512x128xf32, #tpu.memory_space<hbm>> -> memref<16x128xf32, #tpu.memory_space<hbm>>
      tpu.enqueue_dma source(%arg16 : memref<16x128xf32, #tpu.memory_space<vmem>>) target(%dma_start3A_57 : memref<16x128xf32, #tpu.memory_space<hbm>>) target_semaphore(%run_scoped3A : memref<!tpu.dma_semaphore, #tpu.memory_space<semaphore_mem>>)
      %dma_wait3A_58 = arith.constant 0 : i32
      %dma_wait3A_59 = tpu.memref_slice %arg9[%mul3A_2, %dma_wait3A_58] : memref<512x128xf32, #tpu.memory_space<hbm>> -> memref<16x128xf32, #tpu.memory_space<hbm>>
      %dma_wait3A_60 = arith.constant 0 : i32
      %dma_wait3A_61 = tpu.memref_slice %arg9[%mul3A_2, %dma_wait3A_60] : memref<512x128xf32, #tpu.memory_space<hbm>> -> memref<16x128xf32, #tpu.memory_space<hbm>>
      tpu.wait_dma2 semaphore(%run_scoped3A : memref<!tpu.dma_semaphore, #tpu.memory_space<semaphore_mem>>) src(%arg16 : memref<16x128xf32, #tpu.memory_space<vmem>>) dst(%dma_wait3A_61 : memref<16x128xf32, #tpu.memory_space<hbm>>)
      tpu.yield
    }) : () -> ()
    return
  }
}

module attributes {stable_mosaic.version = 14 : i64} {
  func.func @_tc_body(%arg0: memref<512x4096xf32, #tpu.memory_space<hbm>>, %arg1: memref<512x128xf32, #tpu.memory_space<vmem>>, %arg2: memref<512x128xf32, #tpu.memory_space<vmem>>, %arg3: memref<200x4096xf32, #tpu.memory_space<vmem>>, %arg4: memref<200x4096xf32, #tpu.memory_space<vmem>>, %arg5: memref<1x512xi32, #tpu.memory_space<vmem>>, %arg6: memref<512x1xi32, #tpu.memory_space<vmem>>, %arg7: memref<512x1xi32, #tpu.memory_space<vmem>>, %arg8: memref<128x1xi32, #tpu.memory_space<vmem>>, %arg9: memref<128x1xi32, #tpu.memory_space<vmem>>, %arg10: memref<1x128xf32, #tpu.memory_space<vmem>>, %arg11: memref<512x4096xf32, #tpu.memory_space<vmem>>, %arg12: memref<!tpu.dma_semaphore, #tpu.memory_space<semaphore_mem>>) attributes {dimension_semantics = [], scalar_prefetch = 0 : i64, scratch_operands = 2 : i64, tpu.core_type = #tpu.core_type<tc>} {
    tpu.enqueue_dma source(%arg0 : memref<512x4096xf32, #tpu.memory_space<hbm>>) target(%arg11 : memref<512x4096xf32, #tpu.memory_space<vmem>>) target_semaphore(%arg12 : memref<!tpu.dma_semaphore, #tpu.memory_space<semaphore_mem>>)
    %get3A = arith.constant 0 : index
    %get3A_0 = arith.constant 0 : index
    %get3A_1 = vector.load %arg1[%get3A, %get3A_0] : memref<512x128xf32, #tpu.memory_space<vmem>>, vector<512x128xf32>
    %get3A_2 = arith.constant 0 : index
    %get3A_3 = arith.constant 0 : index
    %get3A_4 = vector.load %arg2[%get3A_2, %get3A_3] : memref<512x128xf32, #tpu.memory_space<vmem>>, vector<512x128xf32>
    %get3A_5 = arith.constant 0 : index
    %get3A_6 = arith.constant 0 : index
    %get3A_7 = vector.load %arg6[%get3A_5, %get3A_6] : memref<512x1xi32, #tpu.memory_space<vmem>>, vector<512x1xi32>
    %eq3A = arith.constant 0 : i32
    %eq3A_8 = vector.broadcast %eq3A : i32 to vector<512x1xi32>
    %eq3A_9 = arith.cmpi eq, %get3A_7, %eq3A_8 : vector<512x1xi32>
    %slice3A = vector.extract_strided_slice %get3A_1 {offsets = [0, 0], sizes = [512, 64], strides = [1, 1]} : vector<512x128xf32> to vector<512x64xf32>
    %slice3A_10 = vector.extract_strided_slice %get3A_1 {offsets = [0, 64], sizes = [512, 64], strides = [1, 1]} : vector<512x128xf32> to vector<512x64xf32>
    %broadcast_in_dim3A = vector.shape_cast %eq3A_9 : vector<512x1xi1> to vector<512x1xi1>
    %broadcast_in_dim3A_11 = vector.broadcast %broadcast_in_dim3A : vector<512x1xi1> to vector<512x64xi1>
    %select_n3A = arith.select %broadcast_in_dim3A_11, %slice3A, %slice3A_10 : vector<512x64xi1>, vector<512x64xf32>
    %get3A_12 = arith.constant 0 : index
    %get3A_13 = arith.constant 0 : index
    %get3A_14 = vector.load %arg7[%get3A_12, %get3A_13] : memref<512x1xi32, #tpu.memory_space<vmem>>, vector<512x1xi32>
    %eq3A_15 = arith.constant 0 : i32
    %eq3A_16 = vector.broadcast %eq3A_15 : i32 to vector<512x1xi32>
    %eq3A_17 = arith.cmpi eq, %get3A_14, %eq3A_16 : vector<512x1xi32>
    %slice3A_18 = vector.extract_strided_slice %get3A_4 {offsets = [0, 0], sizes = [512, 64], strides = [1, 1]} : vector<512x128xf32> to vector<512x64xf32>
    %slice3A_19 = vector.extract_strided_slice %get3A_4 {offsets = [0, 64], sizes = [512, 64], strides = [1, 1]} : vector<512x128xf32> to vector<512x64xf32>
    %broadcast_in_dim3A_20 = vector.shape_cast %eq3A_17 : vector<512x1xi1> to vector<512x1xi1>
    %broadcast_in_dim3A_21 = vector.broadcast %broadcast_in_dim3A_20 : vector<512x1xi1> to vector<512x64xi1>
    %select_n3A_22 = arith.select %broadcast_in_dim3A_21, %slice3A_18, %slice3A_19 : vector<512x64xi1>, vector<512x64xf32>
    %mul3A = arith.mulf %select_n3A, %select_n3A : vector<512x64xf32>
    %reduce_sum3A = arith.constant dense<0.000000e+00> : vector<512xf32>
    %reduce_sum3A_23 = vector.multi_reduction <add>, %mul3A, %reduce_sum3A [1] : vector<512x64xf32> to vector<512xf32>
    %broadcast_in_dim3A_24 = vector.shape_cast %reduce_sum3A_23 : vector<512xf32> to vector<512x1xf32>
    %mul3A_25 = arith.mulf %select_n3A_22, %select_n3A_22 : vector<512x64xf32>
    %reduce_sum3A_26 = arith.constant dense<0.000000e+00> : vector<512xf32>
    %reduce_sum3A_27 = vector.multi_reduction <add>, %mul3A_25, %reduce_sum3A_26 [1] : vector<512x64xf32> to vector<512xf32>
    %broadcast_in_dim3A_28 = vector.shape_cast %reduce_sum3A_27 : vector<512xf32> to vector<512x1xf32>
    %broadcast_in_dim3A_29 = arith.constant 1.000000e+00 : f32
    %broadcast_in_dim3A_30 = vector.broadcast %broadcast_in_dim3A_29 : f32 to vector<512x1xf32>
    %broadcast_in_dim3A_31 = arith.constant 0.000000e+00 : f32
    %broadcast_in_dim3A_32 = vector.broadcast %broadcast_in_dim3A_31 : f32 to vector<512x62xf32>
    %concatenate3A = tpu.concatenate %broadcast_in_dim3A_30, %broadcast_in_dim3A_28, %select_n3A_22, %broadcast_in_dim3A_32 in 1 : vector<512x1xf32>, vector<512x1xf32>, vector<512x64xf32>, vector<512x62xf32> -> vector<512x128xf32>
    %mul3A_33 = arith.constant -2.000000e+00 : f32
    %mul3A_34 = vector.broadcast %mul3A_33 : f32 to vector<512x64xf32>
    %mul3A_35 = arith.mulf %mul3A_34, %select_n3A : vector<512x64xf32>
    %concatenate3A_36 = tpu.concatenate %broadcast_in_dim3A_24, %broadcast_in_dim3A_30, %mul3A_35, %broadcast_in_dim3A_32 in 1 : vector<512x1xf32>, vector<512x1xf32>, vector<512x64xf32>, vector<512x62xf32> -> vector<512x128xf32>
    %iota3A = tpu.iota {dimensions = array<i32: 0>} : vector<4096x512xi32>
    %get3A_37 = arith.constant 0 : index
    %get3A_38 = arith.constant 0 : index
    %get3A_39 = vector.load %arg5[%get3A_37, %get3A_38] : memref<1x512xi32, #tpu.memory_space<vmem>>, vector<1x512xi32>
    %eq3A_40 = vector.broadcast %get3A_39 : vector<1x512xi32> to vector<4096x512xi32>
    %eq3A_41 = arith.cmpi eq, %iota3A, %eq3A_40 : vector<4096x512xi32>
    %jit3A = arith.constant 1.000000e+00 : f32
    %jit3A_42 = arith.constant 0.000000e+00 : f32
    %broadcast_in_dim3A_43 = vector.broadcast %jit3A : f32 to vector<4096x512xf32>
    %broadcast_in_dim3A_44 = vector.broadcast %jit3A_42 : f32 to vector<4096x512xf32>
    %select_n3A_45 = arith.select %eq3A_41, %broadcast_in_dim3A_43, %broadcast_in_dim3A_44 : vector<4096x512xi1>, vector<4096x512xf32>
    %dot_general3A = arith.constant dense<0.000000e+00> : vector<4096x128xf32>
    %dot_general3A_46 = tpu.matmul %select_n3A_45, %concatenate3A, %dot_general3A {dimension_numbers = #tpu.dot_dimension_numbers<[1], [0], [0], [1], [0, 0, 1, 1], [], []>, transpose_lhs_hint = false} : vector<4096x512xf32>, vector<512x128xf32>, vector<4096x128xf32> -> vector<4096x128xf32>
    %iota3A_47 = tpu.iota {dimensions = array<i32: 0>} : vector<64x4096xi32>
    %iota3A_48 = tpu.iota {dimensions = array<i32: 1>} : vector<64x4096xi32>
    %jit3A_49 = arith.constant 64 : i32
    %eq3A_50 = arith.constant 0 : i32
    %eq3A_51 = arith.cmpi eq, %jit3A_49, %eq3A_50 : i32
    %jit3A_52 = arith.constant 1 : i32
    %select_n3A_53 = arith.select %eq3A_51, %jit3A_52, %jit3A_49 : i32
    %rem3A = vector.broadcast %select_n3A_53 : i32 to vector<64x4096xi32>
    %rem3A_54 = arith.remsi %iota3A_48, %rem3A : vector<64x4096xi32>
    %ne3A = arith.constant 0 : i32
    %ne3A_55 = vector.broadcast %ne3A : i32 to vector<64x4096xi32>
    %ne3A_56 = arith.cmpi ne, %rem3A_54, %ne3A_55 : vector<64x4096xi32>
    %lt3A = arith.constant 0 : i32
    %lt3A_57 = vector.broadcast %lt3A : i32 to vector<64x4096xi32>
    %lt3A_58 = arith.cmpi slt, %rem3A_54, %lt3A_57 : vector<64x4096xi32>
    %lt3A_59 = arith.constant 0 : i32
    %lt3A_60 = arith.cmpi slt, %select_n3A_53, %lt3A_59 : i32
    %ne3A_61 = vector.broadcast %lt3A_60 : i1 to vector<64x4096xi1>
    %ne3A_62 = vector.broadcast %ne3A_61 : vector<64x4096xi1> to vector<64x4096xi1>
    %ne3A_63 = arith.xori %lt3A_58, %ne3A_62 : vector<64x4096xi1>
    %and3A = arith.andi %ne3A_63, %ne3A_56 : vector<64x4096xi1>
    %add3A = vector.broadcast %select_n3A_53 : i32 to vector<64x4096xi32>
    %add3A_64 = arith.addi %rem3A_54, %add3A : vector<64x4096xi32>
    %select_n3A_65 = arith.select %and3A, %add3A_64, %rem3A_54 : vector<64x4096xi1>, vector<64x4096xi32>
    %eq3A_66 = arith.cmpi eq, %select_n3A_65, %iota3A_47 : vector<64x4096xi32>
    %jit3A_67 = arith.constant 1.000000e+00 : f32
    %jit3A_68 = arith.constant 0.000000e+00 : f32
    %broadcast_in_dim3A_69 = vector.broadcast %jit3A_67 : f32 to vector<64x4096xf32>
    %broadcast_in_dim3A_70 = vector.broadcast %jit3A_68 : f32 to vector<64x4096xf32>
    %select_n3A_71 = arith.select %eq3A_66, %broadcast_in_dim3A_69, %broadcast_in_dim3A_70 : vector<64x4096xi1>, vector<64x4096xf32>
    %iota3A_72 = tpu.iota {dimensions = array<i32: 0>} : vector<4096x64xi32>
    %jit3A_73 = arith.constant 64 : i32
    %div3A = vector.broadcast %jit3A_73 : i32 to vector<4096x64xi32>
    %div3A_74 = arith.divsi %iota3A_72, %div3A : vector<4096x64xi32>
    %sign3A = arith.constant 0 : i32
    %sign3A_75 = vector.broadcast %sign3A : i32 to vector<4096x64xi32>
    %sign3A_76 = arith.cmpi sgt, %iota3A_72, %sign3A_75 : vector<4096x64xi32>
    %sign3A_77 = arith.extui %sign3A_76 : vector<4096x64xi1> to vector<4096x64xi32>
    %sign3A_78 = arith.constant 0 : i32
    %sign3A_79 = vector.broadcast %sign3A_78 : i32 to vector<4096x64xi32>
    %sign3A_80 = arith.cmpi slt, %iota3A_72, %sign3A_79 : vector<4096x64xi32>
    %sign3A_81 = arith.extui %sign3A_80 : vector<4096x64xi1> to vector<4096x64xi32>
    %sign3A_82 = arith.subi %sign3A_77, %sign3A_81 : vector<4096x64xi32>
    %sign3A_83 = arith.constant 0 : i32
    %sign3A_84 = arith.cmpi sgt, %jit3A_73, %sign3A_83 : i32
    %sign3A_85 = arith.extui %sign3A_84 : i1 to i32
    %sign3A_86 = arith.constant 0 : i32
    %sign3A_87 = arith.cmpi slt, %jit3A_73, %sign3A_86 : i32
    %sign3A_88 = arith.extui %sign3A_87 : i1 to i32
    %sign3A_89 = arith.subi %sign3A_85, %sign3A_88 : i32
    %ne3A_90 = vector.broadcast %sign3A_89 : i32 to vector<4096x64xi32>
    %ne3A_91 = arith.cmpi ne, %sign3A_82, %ne3A_90 : vector<4096x64xi32>
    %rem3A_92 = vector.broadcast %jit3A_73 : i32 to vector<4096x64xi32>
    %rem3A_93 = arith.remsi %iota3A_72, %rem3A_92 : vector<4096x64xi32>
    %ne3A_94 = arith.constant 0 : i32
    %ne3A_95 = vector.broadcast %ne3A_94 : i32 to vector<4096x64xi32>
    %ne3A_96 = arith.cmpi ne, %rem3A_93, %ne3A_95 : vector<4096x64xi32>
    %and3A_97 = arith.andi %ne3A_91, %ne3A_96 : vector<4096x64xi1>
    %sub3A = arith.constant 1 : i32
    %sub3A_98 = vector.broadcast %sub3A : i32 to vector<4096x64xi32>
    %sub3A_99 = arith.subi %div3A_74, %sub3A_98 : vector<4096x64xi32>
    %select_n3A_100 = arith.select %and3A_97, %sub3A_99, %div3A_74 : vector<4096x64xi1>, vector<4096x64xi32>
    %iota3A_101 = tpu.iota {dimensions = array<i32: 1>} : vector<4096x64xi32>
    %eq3A_102 = arith.cmpi eq, %select_n3A_100, %iota3A_101 : vector<4096x64xi32>
    %jit3A_103 = arith.constant 1.000000e+00 : f32
    %jit3A_104 = arith.constant 0.000000e+00 : f32
    %broadcast_in_dim3A_105 = vector.broadcast %jit3A_103 : f32 to vector<4096x64xf32>
    %broadcast_in_dim3A_106 = vector.broadcast %jit3A_104 : f32 to vector<4096x64xf32>
    %select_n3A_107 = arith.select %eq3A_102, %broadcast_in_dim3A_105, %broadcast_in_dim3A_106 : vector<4096x64xi1>, vector<4096x64xf32>
    %get3A_108 = arith.constant 0 : index
    %get3A_109 = arith.constant 0 : index
    %get3A_110 = vector.load %arg3[%get3A_108, %get3A_109] : memref<200x4096xf32, #tpu.memory_space<vmem>>, vector<200x4096xf32>
    %get3A_111 = arith.constant 0 : index
    %get3A_112 = arith.constant 0 : index
    %get3A_113 = vector.load %arg8[%get3A_111, %get3A_112] : memref<128x1xi32, #tpu.memory_space<vmem>>, vector<128x1xi32>
    %iota3A_114 = tpu.iota {dimensions = array<i32: 1>} : vector<128x200xi32>
    %eq3A_115 = vector.broadcast %get3A_113 : vector<128x1xi32> to vector<128x200xi32>
    %eq3A_116 = arith.cmpi eq, %iota3A_114, %eq3A_115 : vector<128x200xi32>
    %jit3A_117 = arith.constant 1.000000e+00 : f32
    %jit3A_118 = arith.constant 0.000000e+00 : f32
    %broadcast_in_dim3A_119 = vector.broadcast %jit3A_117 : f32 to vector<128x200xf32>
    %broadcast_in_dim3A_120 = vector.broadcast %jit3A_118 : f32 to vector<128x200xf32>
    %select_n3A_121 = arith.select %eq3A_116, %broadcast_in_dim3A_119, %broadcast_in_dim3A_120 : vector<128x200xi1>, vector<128x200xf32>
    %dot_general3A_122 = arith.constant dense<0.000000e+00> : vector<128x4096xf32>
    %dot_general3A_123 = tpu.matmul %select_n3A_121, %get3A_110, %dot_general3A_122 {dimension_numbers = #tpu.dot_dimension_numbers<[1], [0], [0], [1], [0, 0, 1, 1], [], []>, transpose_lhs_hint = false} : vector<128x200xf32>, vector<200x4096xf32>, vector<128x4096xf32> -> vector<128x4096xf32>
    %slice3A_124 = vector.extract_strided_slice %select_n3A {offsets = [0, 0], sizes = [128, 64], strides = [1, 1]} : vector<512x64xf32> to vector<128x64xf32>
    %slice3A_125 = vector.extract_strided_slice %select_n3A {offsets = [128, 0], sizes = [128, 64], strides = [1, 1]} : vector<512x64xf32> to vector<128x64xf32>
    %slice3A_126 = vector.extract_strided_slice %select_n3A {offsets = [256, 0], sizes = [128, 64], strides = [1, 1]} : vector<512x64xf32> to vector<128x64xf32>
    %slice3A_127 = vector.extract_strided_slice %select_n3A {offsets = [384, 0], sizes = [128, 64], strides = [1, 1]} : vector<512x64xf32> to vector<128x64xf32>
    %dot_general3A_128 = arith.constant dense<0.000000e+00> : vector<128x4096xf32>
    %dot_general3A_129 = tpu.matmul %slice3A_127, %select_n3A_71, %dot_general3A_128 {dimension_numbers = #tpu.dot_dimension_numbers<[1], [0], [0], [1], [0, 0, 1, 1], [], []>, transpose_lhs_hint = false} : vector<128x64xf32>, vector<64x4096xf32>, vector<128x4096xf32> -> vector<128x4096xf32>
    %mul3A_130 = arith.mulf %dot_general3A_123, %dot_general3A_129 : vector<128x4096xf32>
    %dot_general3A_131 = arith.constant dense<0.000000e+00> : vector<128x64xf32>
    %dot_general3A_132 = tpu.matmul %mul3A_130, %select_n3A_107, %dot_general3A_131 {dimension_numbers = #tpu.dot_dimension_numbers<[1], [0], [0], [1], [0, 0, 1, 1], [], []>, transpose_lhs_hint = false} : vector<128x4096xf32>, vector<4096x64xf32>, vector<128x64xf32> -> vector<128x64xf32>
    %mul3A_133 = arith.mulf %slice3A_126, %dot_general3A_132 : vector<128x64xf32>
    %reduce_sum3A_134 = arith.constant dense<0.000000e+00> : vector<128xf32>
    %reduce_sum3A_135 = vector.multi_reduction <add>, %mul3A_133, %reduce_sum3A_134 [1] : vector<128x64xf32> to vector<128xf32>
    %add3A_136 = arith.constant 1.000000e+00 : f32
    %add3A_137 = vector.broadcast %add3A_136 : f32 to vector<128xf32>
    %add3A_138 = arith.addf %add3A_137, %reduce_sum3A_135 : vector<128xf32>
    %dot_general3A_139 = arith.constant dense<0.000000e+00> : vector<128x4096xf32>
    %dot_general3A_140 = tpu.matmul %slice3A_125, %select_n3A_71, %dot_general3A_139 {dimension_numbers = #tpu.dot_dimension_numbers<[1], [0], [0], [1], [0, 0, 1, 1], [], []>, transpose_lhs_hint = false} : vector<128x64xf32>, vector<64x4096xf32>, vector<128x4096xf32> -> vector<128x4096xf32>
    %mul3A_141 = arith.mulf %dot_general3A_123, %dot_general3A_140 : vector<128x4096xf32>
    %dot_general3A_142 = arith.constant dense<0.000000e+00> : vector<128x64xf32>
    %dot_general3A_143 = tpu.matmul %mul3A_141, %select_n3A_107, %dot_general3A_142 {dimension_numbers = #tpu.dot_dimension_numbers<[1], [0], [0], [1], [0, 0, 1, 1], [], []>, transpose_lhs_hint = false} : vector<128x4096xf32>, vector<4096x64xf32>, vector<128x64xf32> -> vector<128x64xf32>
    %mul3A_144 = arith.mulf %slice3A_124, %dot_general3A_143 : vector<128x64xf32>
    %reduce_sum3A_145 = arith.constant dense<0.000000e+00> : vector<128xf32>
    %reduce_sum3A_146 = vector.multi_reduction <add>, %mul3A_144, %reduce_sum3A_145 [1] : vector<128x64xf32> to vector<128xf32>
    %sub3A_147 = arith.subf %add3A_138, %reduce_sum3A_146 : vector<128xf32>
    %max3A = arith.constant 0.000000e+00 : f32
    %max3A_148 = vector.broadcast %max3A : f32 to vector<128xf32>
    %max3A_149 = arith.maximumf %sub3A_147, %max3A_148 : vector<128xf32>
    %reduce_sum3A_150 = vector.shape_cast %max3A_149 : vector<128xf32> to vector<1x128xf32>
    %reduce_sum3A_151 = arith.constant dense<0.000000e+00> : vector<1xf32>
    %reduce_sum3A_152 = vector.multi_reduction <add>, %reduce_sum3A_150, %reduce_sum3A_151 [1] : vector<1x128xf32> to vector<1xf32>
    %reduce_sum3A_153 = vector.shape_cast %reduce_sum3A_152 : vector<1xf32> to vector<1x1xf32>
    %reduce_sum3A_154 = vector.extract %reduce_sum3A_153[0, 0] : f32 from vector<1x1xf32>
    %div3A_155 = arith.constant 1.280000e+02 : f32
    %div3A_156 = arith.divf %reduce_sum3A_154, %div3A_155 : f32
    %get3A_157 = arith.constant 0 : index
    %get3A_158 = arith.constant 0 : index
    %get3A_159 = vector.load %arg4[%get3A_157, %get3A_158] : memref<200x4096xf32, #tpu.memory_space<vmem>>, vector<200x4096xf32>
    %get3A_160 = arith.constant 0 : index
    %get3A_161 = arith.constant 0 : index
    %get3A_162 = vector.load %arg9[%get3A_160, %get3A_161] : memref<128x1xi32, #tpu.memory_space<vmem>>, vector<128x1xi32>
    %iota3A_163 = tpu.iota {dimensions = array<i32: 1>} : vector<128x200xi32>
    %eq3A_164 = vector.broadcast %get3A_162 : vector<128x1xi32> to vector<128x200xi32>
    %eq3A_165 = arith.cmpi eq, %iota3A_163, %eq3A_164 : vector<128x200xi32>
    %jit3A_166 = arith.constant 1.000000e+00 : f32
    %jit3A_167 = arith.constant 0.000000e+00 : f32
    %broadcast_in_dim3A_168 = vector.broadcast %jit3A_166 : f32 to vector<128x200xf32>
    %broadcast_in_dim3A_169 = vector.broadcast %jit3A_167 : f32 to vector<128x200xf32>
    %select_n3A_170 = arith.select %eq3A_165, %broadcast_in_dim3A_168, %broadcast_in_dim3A_169 : vector<128x200xi1>, vector<128x200xf32>
    %dot_general3A_171 = arith.constant dense<0.000000e+00> : vector<128x4096xf32>
    %dot_general3A_172 = tpu.matmul %select_n3A_170, %get3A_159, %dot_general3A_171 {dimension_numbers = #tpu.dot_dimension_numbers<[1], [0], [0], [1], [0, 0, 1, 1], [], []>, transpose_lhs_hint = false} : vector<128x200xf32>, vector<200x4096xf32>, vector<128x4096xf32> -> vector<128x4096xf32>
    %slice3A_173 = vector.extract_strided_slice %select_n3A_22 {offsets = [0, 0], sizes = [128, 64], strides = [1, 1]} : vector<512x64xf32> to vector<128x64xf32>
    %slice3A_174 = vector.extract_strided_slice %select_n3A_22 {offsets = [128, 0], sizes = [128, 64], strides = [1, 1]} : vector<512x64xf32> to vector<128x64xf32>
    %slice3A_175 = vector.extract_strided_slice %select_n3A_22 {offsets = [256, 0], sizes = [128, 64], strides = [1, 1]} : vector<512x64xf32> to vector<128x64xf32>
    %slice3A_176 = vector.extract_strided_slice %select_n3A_22 {offsets = [384, 0], sizes = [128, 64], strides = [1, 1]} : vector<512x64xf32> to vector<128x64xf32>
    %dot_general3A_177 = arith.constant dense<0.000000e+00> : vector<128x4096xf32>
    %dot_general3A_178 = tpu.matmul %slice3A_176, %select_n3A_71, %dot_general3A_177 {dimension_numbers = #tpu.dot_dimension_numbers<[1], [0], [0], [1], [0, 0, 1, 1], [], []>, transpose_lhs_hint = false} : vector<128x64xf32>, vector<64x4096xf32>, vector<128x4096xf32> -> vector<128x4096xf32>
    %mul3A_179 = arith.mulf %dot_general3A_172, %dot_general3A_178 : vector<128x4096xf32>
    %dot_general3A_180 = arith.constant dense<0.000000e+00> : vector<128x64xf32>
    %dot_general3A_181 = tpu.matmul %mul3A_179, %select_n3A_107, %dot_general3A_180 {dimension_numbers = #tpu.dot_dimension_numbers<[1], [0], [0], [1], [0, 0, 1, 1], [], []>, transpose_lhs_hint = false} : vector<128x4096xf32>, vector<4096x64xf32>, vector<128x64xf32> -> vector<128x64xf32>
    %mul3A_182 = arith.mulf %slice3A_175, %dot_general3A_181 : vector<128x64xf32>
    %reduce_sum3A_183 = arith.constant dense<0.000000e+00> : vector<128xf32>
    %reduce_sum3A_184 = vector.multi_reduction <add>, %mul3A_182, %reduce_sum3A_183 [1] : vector<128x64xf32> to vector<128xf32>
    %add3A_185 = arith.constant 1.000000e+00 : f32
    %add3A_186 = vector.broadcast %add3A_185 : f32 to vector<128xf32>
    %add3A_187 = arith.addf %add3A_186, %reduce_sum3A_184 : vector<128xf32>
    %dot_general3A_188 = arith.constant dense<0.000000e+00> : vector<128x4096xf32>
    %dot_general3A_189 = tpu.matmul %slice3A_174, %select_n3A_71, %dot_general3A_188 {dimension_numbers = #tpu.dot_dimension_numbers<[1], [0], [0], [1], [0, 0, 1, 1], [], []>, transpose_lhs_hint = false} : vector<128x64xf32>, vector<64x4096xf32>, vector<128x4096xf32> -> vector<128x4096xf32>
    %mul3A_190 = arith.mulf %dot_general3A_172, %dot_general3A_189 : vector<128x4096xf32>
    %dot_general3A_191 = arith.constant dense<0.000000e+00> : vector<128x64xf32>
    %dot_general3A_192 = tpu.matmul %mul3A_190, %select_n3A_107, %dot_general3A_191 {dimension_numbers = #tpu.dot_dimension_numbers<[1], [0], [0], [1], [0, 0, 1, 1], [], []>, transpose_lhs_hint = false} : vector<128x4096xf32>, vector<4096x64xf32>, vector<128x64xf32> -> vector<128x64xf32>
    %mul3A_193 = arith.mulf %slice3A_173, %dot_general3A_192 : vector<128x64xf32>
    %reduce_sum3A_194 = arith.constant dense<0.000000e+00> : vector<128xf32>
    %reduce_sum3A_195 = vector.multi_reduction <add>, %mul3A_193, %reduce_sum3A_194 [1] : vector<128x64xf32> to vector<128xf32>
    %sub3A_196 = arith.subf %add3A_187, %reduce_sum3A_195 : vector<128xf32>
    %max3A_197 = arith.constant 0.000000e+00 : f32
    %max3A_198 = vector.broadcast %max3A_197 : f32 to vector<128xf32>
    %max3A_199 = arith.maximumf %sub3A_196, %max3A_198 : vector<128xf32>
    %reduce_sum3A_200 = vector.shape_cast %max3A_199 : vector<128xf32> to vector<1x128xf32>
    %reduce_sum3A_201 = arith.constant dense<0.000000e+00> : vector<1xf32>
    %reduce_sum3A_202 = vector.multi_reduction <add>, %reduce_sum3A_200, %reduce_sum3A_201 [1] : vector<1x128xf32> to vector<1xf32>
    %reduce_sum3A_203 = vector.shape_cast %reduce_sum3A_202 : vector<1xf32> to vector<1x1xf32>
    %reduce_sum3A_204 = vector.extract %reduce_sum3A_203[0, 0] : f32 from vector<1x1xf32>
    %div3A_205 = arith.constant 1.280000e+02 : f32
    %div3A_206 = arith.divf %reduce_sum3A_204, %div3A_205 : f32
    tpu.wait_dma2 semaphore(%arg12 : memref<!tpu.dma_semaphore, #tpu.memory_space<semaphore_mem>>) src(%arg0 : memref<512x4096xf32, #tpu.memory_space<hbm>>) dst(%arg11 : memref<512x4096xf32, #tpu.memory_space<vmem>>)
    %get3A_207 = arith.constant 0 : index
    %get3A_208 = arith.constant 0 : index
    %get3A_209 = vector.load %arg11[%get3A_207, %get3A_208] : memref<512x4096xf32, #tpu.memory_space<vmem>>, vector<512x4096xf32>
    %dot_general3A_210 = arith.constant dense<0.000000e+00> : vector<512x128xf32>
    %dot_general3A_211 = tpu.matmul %get3A_209, %dot_general3A_46, %dot_general3A_210 {dimension_numbers = #tpu.dot_dimension_numbers<[1], [0], [0], [1], [0, 0, 1, 1], [], []>, transpose_lhs_hint = false} : vector<512x4096xf32>, vector<4096x128xf32>, vector<512x128xf32> -> vector<512x128xf32>
    %mul3A_212 = arith.mulf %dot_general3A_211, %concatenate3A_36 : vector<512x128xf32>
    %reduce_sum3A_213 = vector.shape_cast %mul3A_212 : vector<512x128xf32> to vector<1x512x128xf32>
    %reduce_sum3A_214 = arith.constant dense<0.000000e+00> : vector<1xf32>
    %reduce_sum3A_215 = vector.multi_reduction <add>, %reduce_sum3A_213, %reduce_sum3A_214 [1, 2] : vector<1x512x128xf32> to vector<1xf32>
    %reduce_sum3A_216 = vector.shape_cast %reduce_sum3A_215 : vector<1xf32> to vector<1x1x1xf32>
    %reduce_sum3A_217 = vector.extract %reduce_sum3A_216[0, 0, 0] : f32 from vector<1x1x1xf32>
    %iota3A_218 = tpu.iota {dimensions = array<i32: 1>} : vector<1x128xi32>
    %eq3A_219 = arith.constant 0 : i32
    %eq3A_220 = vector.broadcast %eq3A_219 : i32 to vector<1x128xi32>
    %eq3A_221 = arith.cmpi eq, %iota3A_218, %eq3A_220 : vector<1x128xi32>
    %eq3A_222 = arith.constant 1 : i32
    %eq3A_223 = vector.broadcast %eq3A_222 : i32 to vector<1x128xi32>
    %eq3A_224 = arith.cmpi eq, %iota3A_218, %eq3A_223 : vector<1x128xi32>
    %eq3A_225 = arith.constant 2 : i32
    %eq3A_226 = vector.broadcast %eq3A_225 : i32 to vector<1x128xi32>
    %eq3A_227 = arith.cmpi eq, %iota3A_218, %eq3A_226 : vector<1x128xi32>
    %mul3A_228 = arith.constant 1.000000e-01 : f32
    %mul3A_229 = arith.mulf %mul3A_228, %reduce_sum3A_217 : f32
    %jit3A_230 = arith.constant 0.000000e+00 : f32
    %broadcast_in_dim3A_231 = vector.broadcast %mul3A_229 : f32 to vector<1x128xf32>
    %broadcast_in_dim3A_232 = vector.broadcast %jit3A_230 : f32 to vector<1x128xf32>
    %select_n3A_233 = arith.select %eq3A_227, %broadcast_in_dim3A_231, %broadcast_in_dim3A_232 : vector<1x128xi1>, vector<1x128xf32>
    %broadcast_in_dim3A_234 = vector.broadcast %div3A_206 : f32 to vector<1x128xf32>
    %select_n3A_235 = arith.select %eq3A_224, %broadcast_in_dim3A_234, %select_n3A_233 : vector<1x128xi1>, vector<1x128xf32>
    %broadcast_in_dim3A_236 = vector.broadcast %div3A_156 : f32 to vector<1x128xf32>
    %select_n3A_237 = arith.select %eq3A_221, %broadcast_in_dim3A_236, %select_n3A_235 : vector<1x128xi1>, vector<1x128xf32>
    %swap3A = arith.constant 0 : index
    %swap3A_238 = arith.constant 0 : index
    %swap3A_239 = vector.load %arg10[%swap3A, %swap3A_238] : memref<1x128xf32, #tpu.memory_space<vmem>>, vector<1x128xf32>
    tpu.vector_store %arg10[%swap3A, %swap3A_238], %select_n3A_237 {strides = array<i32>} : memref<1x128xf32, #tpu.memory_space<vmem>>, vector<1x128xf32>,
    return
  }
}

</mosaic_0001>

<sc_bundles>
// kernel: kernel.4.cloned.1.call-start
scs
__scs_entry_jumppad:
0x0: {  	(pc) =	sbr.rel $0x88, $3  }
0x1: {  	(tag) =	ssettag $0x0;
	lr =	simm.s32 $0x1  }
0x2: {  	[smem:$0x3F92] =	sst lr;
	_ =	strace $0xD0000000  }
0x3: {  	_ = 	snop  }
0x4: {  	_ = 	snop  }
0x5: {  	_ = 	snop  }
0x6: {  	_ = 	snop  }
0x7: {  	_ = 	snop  }
__scs_overlays_trampoline_lowered:
0x8: {  	[smem:$0x3FA1] =	sst s0  }
0x9: {  	[smem:$0x3FA2] =	sst s1  }
0xa: {  	[smem:$0x3FA3] =	sst s2  }
0xb: {  	[smem:$0x3FA4] =	sst s3  }
0xc: {  	[smem:$0x3FA5] =	sst s4  }
0xd: {  	[smem:$0x3FA6] =	sst s5  }
0xe: {  	[smem:$0x3FA7] =	sst s6  }
0xf: {  	[smem:$0x3FA8] =	sst s7  }
0x10: {  	[smem:$0x3FA9] =	sst s8  }
0x11: {  	[smem:$0x3FAA] =	sst s9;
	s0 =	simm.s32 @!p0 $0x0  }
0x12: {  	s1 =	sld [smem:$0x3F90];
	s0 =	simm.s32 @p0 $0x1  }
0x13: {  	[smem:$0x3FAB] =	sst s0;
	s0 =	simm.s32 @!p1 $0x0  }
0x14: {  	s2 =	sld [smem:$0x3F8F];
	s0 =	simm.s32 @p1 $0x1  }
0x15: {  	[smem:$0x3FAC] =	sst s0;
	s0 =	simm.s32 @!p2 $0x0  }
0x16: {  	s3 =	sld [smem:$0x3FDB];
	s0 =	simm.s32 @p2 $0x1  }
0x17: {  	s4 =	simm.s32 $0x1BF5;
	[smem:$0x3FAE] =	sst s0  }
0x18: {  	s0 =	sld [smem:$0x3F91];
	_ =	swait.ge [sflag:s4], $0x0  }
0x19: {  	s7 =	sld [smem:$0x3F92]  }
0x1a: {  	s8 =	sadd.s32 $0xFFFFE003, lr  }
0x1b: {  	s9 =	sadd.s32 $0xFFFFFEF7, lr;
	s5 =	simm.s32 $0xFFFFFFFF;
	p2 =	slt.u32 s8, $0xFFFFF086  }
0x1c: {  	p1 =	slt.u32 s9, $0xF7A;
	s5 =	simm.s32 @!p2 $0x0  }
0x1d: {  	s5 =	simm.s32 @p1 $0x1;
	p0 =	seq.s32 s7, s2  }
0x1e: {  	s7 =	smul.u32 @!p0 $0xF7A, s2;
	p2 =	seq.s32 @!p0 s5, $0x0  }
0x1f: {  	s9 =	smul.u32 $0xF7A, s1;
	s8 =	simm.s32 @!p0 $0x1BF5;
	p2 =	por !p2, p0  }
0x20: {  	[sflag:s8] =	ssyncset.s32 @!p0 $0xFFFFF086;
	s6 =	sadd.s32 @!p0 s3, s7;
	s7 =	simm.s32 @!p0 $0x108  }
0x21: {  	s3 =	sadd.s32 s3, s9;
	s6 =	sadd.s32 @!p0 $0x88, s6;
	s7 =	simm.s32 @p2 $0x1082  }
0x22: {  	[simem:s7], [sflag:s8] =	dma.local @!p0 [hbm:s6], $0xF7A  }
0x23: {  	s9 =	sor.u32 $0xD0000000, s2;
	s6 =	simm.s32 $0x108;
	_ =	swait.ge @!p0 [sflag:s8], $0x0  }
0x24: {  	s3 =	sadd.s32 $0x88, s3;
	s6 =	simm.s32 @!p1 $0x1082;
	[sflag:s4] =	ssyncset.s32 $0xFFFFF086  }
0x25: {  	[simem:s6], [sflag:s4] =	dma.local [hbm:s3], $0xF7A  }
0x26: {  	[smem:$0x3F92] =	sst s1;
	(tag) =	ssettag s2;
	_ =	strace s9  }
0x27: {  	s1 =	sld [smem:$0x3FA2]  }
0x28: {  	s2 =	sld [smem:$0x3FA3]  }
0x29: {  	s4 =	sld [smem:$0x3FA5]  }
0x2a: {  	p0 =	seq.s32 s5, $0x0;
	s5 =	sld [smem:$0x3FA6]  }
0x2b: {  	s6 =	sld [smem:$0x3FA7]  }
0x2c: {  	s7 =	sld [smem:$0x3FA8]  }
0x2d: {  	s3 =	simm.s32 $0x108;
	s8 =	sld [smem:$0x3FA9]  }
0x2e: {  	s3 =	simm.s32 @!p0 $0x1082;
	s9 =	sld [smem:$0x3FAA]  }
0x2f: {  	lr =	sadd.s32 s0, s3;
	s0 =	sld [smem:$0x3FA1]  }
0x30: {  	s3 =	sld [smem:$0x3FA4]  }
0x31: {  	[smem:$0x3FAD] =	sst s10  }
0x32: {  	s10 =	sld [smem:$0x3FAB];
	_ =	sdelay $0x3  }
0x33: {  	p0 =	seq.s32 s10, $0x1;
	s10 =	sld [smem:$0x3FAD];
	_ =	sdelay $0x3  }
0x34: {  	[smem:$0x3FAD] =	sst s10  }
0x35: {  	s10 =	sld [smem:$0x3FAC];
	_ =	sdelay $0x3  }
0x36: {  	p1 =	seq.s32 s10, $0x1;
	s10 =	sld [smem:$0x3FAD];
	_ =	sdelay $0x3  }
0x37: {  	[smem:$0x3FAD] =	sst s10  }
0x38: {  	s10 =	sld [smem:$0x3FAE]  }
0x39: {  	_ = 	snop;
	(pc) =	sbr.ind lr, $3  }
0x3a: {  	_ = 	snop  }
0x3b: {  	_ = 	snop  }
0x3c: {  	p2 =	seq.s32 s10, $0x1;
	s10 =	sld [smem:$0x3FAD]  }
0x3d: {  	_ =	shalt  }
0x3e: {  	_ =	shalt  }
0x3f: {  	_ =	shalt  }
0x40: {  	_ =	shalt  }
0x41: {  	_ =	shalt  }
0x42: {  	_ =	shalt  }
0x43: {  	_ =	shalt  }
0x44: {  	_ =	shalt  }
0x45: {  	_ =	shalt  }
0x46: {  	_ =	shalt  }
0x47: {  	_ =	shalt  }
0x48: {  	_ =	shalt  }
0x49: {  	_ =	shalt  }
0x4a: {  	_ =	shalt  }
0x4b: {  	_ =	shalt  }
0x4c: {  	_ =	shalt  }
0x4d: {  	_ =	shalt  }
0x4e: {  	_ =	shalt  }
0x4f: {  	_ =	shalt  }
0x50: {  	_ =	shalt  }
0x51: {  	_ =	shalt  }
0x52: {  	_ =	shalt  }
0x53: {  	_ =	shalt  }
0x54: {  	_ =	shalt  }
0x55: {  	_ =	shalt  }
0x56: {  	_ =	shalt  }
0x57: {  	_ =	shalt  }
0x58: {  	_ =	shalt  }
0x59: {  	_ =	shalt  }
0x5a: {  	_ =	shalt  }
0x5b: {  	_ =	shalt  }
0x5c: {  	_ =	shalt  }
0x5d: {  	_ =	shalt  }
0x5e: {  	_ =	shalt  }
0x5f: {  	_ =	shalt  }
0x60: {  	_ =	shalt  }
0x61: {  	_ =	shalt  }
0x62: {  	_ =	shalt  }
0x63: {  	_ =	shalt  }
0x64: {  	_ =	shalt  }
0x65: {  	_ =	shalt  }
0x66: {  	_ =	shalt  }
0x67: {  	_ =	shalt  }
0x68: {  	_ =	shalt  }
0x69: {  	_ =	shalt  }
0x6a: {  	_ =	shalt  }
0x6b: {  	_ =	shalt  }
0x6c: {  	_ =	shalt  }
0x6d: {  	_ =	shalt  }
0x6e: {  	_ =	shalt  }
0x6f: {  	_ =	shalt  }
0x70: {  	_ =	shalt  }
0x71: {  	_ =	shalt  }
0x72: {  	_ =	shalt  }
0x73: {  	_ =	shalt  }
0x74: {  	_ =	shalt  }
0x75: {  	_ =	shalt  }
0x76: {  	_ =	shalt  }
0x77: {  	_ =	shalt  }
0x78: {  	_ =	shalt  }
0x79: {  	_ =	shalt  }
0x7a: {  	_ =	shalt  }
0x7b: {  	_ =	shalt  }
0x7c: {  	_ =	shalt  }
0x7d: {  	_ =	shalt  }
0x7e: {  	_ =	shalt  }
0x7f: {  	_ =	shalt  }
0x80: {  	_ =	shalt  }
0x81: {  	_ =	shalt  }
0x82: {  	_ =	shalt  }
0x83: {  	_ =	shalt  }
0x84: {  	_ =	shalt  }
0x85: {  	_ =	shalt  }
0x86: {  	_ =	shalt  }
0x87: {  	_ =	shalt  }
.Lfunc_end0:
.L_simem_size_0:
called_computation_lowered:
.L_overlay_start_0:
0x88: {  	s2 =	sld [smem:$0x3FD9]  }
0x89: {  	s3 =	sld [smem:$0x3FFE];
	_ =	sdelay $0x1  }
0x8a: {  	s1 =	srdreg.scid  }
0x8b: {  	s0 =	sand.u32 $0x1, s1  }
0x8c: {  	s17 =	sshll.u32 s0, $0xA;
	s2 =	sadd.s32 s3, s2  }
0x8d: {  	s2 =	sadd.s32 s2, s17  }
0x8e: {  	[smem:$0x3FB9] =	sst s2  }
0x8f: {  	_ = 	snop  }
0x90: {  	s2 =	sld [smem:$0x3FBB];
	(tm) =	ssettm $0x1  }
0x91: {  	s18 =	sld [smem:$0x3FFB];
	_ =	sdelay $0x3  }
0x92: {  	_ =	strace s18  }
0x93: {  	s3 =	sld [smem:$0x3FFC];
	_ =	sdelay $0x3  }
0x94: {  	_ =	strace s3  }
0x95: {  	s3 =	sld [smem:$0x3FFD];
	_ =	sdelay $0x3  }
0x96: {  	_ =	strace s3  }
0x97: {  	_ =	strace $0x8FFFFFFF  }
0x98: {  	s19 =	sld [smem:$0x3FDB];
	_ =	sdelay $0x1  }
0x99: {  	s4 =	simm.s32 $_scs_section_size  }
0x9a: {  	s5 =	simm.s32 $_size__tile_overlayer_lowered;
	s6 =	simm.s32 $_tile_overlayer_lowered  }
0x9b: {  	s22 =	simm.s32 $0x1BFF;
	s21 =	sshll.u32 s6, $0x1;
	s3 =	sadd.s32 s4, s19  }
0x9c: {  	s7 =	simm.s32 $0x0;
	s20 =	sshll.u32 s5, $0x1;
	s5 =	sadd.s32 s21, s3  }
0x9d: {  	[timem:s7], [sflag:s22] =	dma.local [hbm:s5], s20  }
0x9e: {  	_ =	swait.ge [sflag:s22], s20  }
0x9f: {  	s4 =	ssub.s32 $0x0, s20;
	[sflag:s22] =	ssyncset.done $0x0  }
0xa0: {  	[sflag:s22] =	ssyncadd.s32 s4;
	_ =	sdelay $0x1  }
0xa1: {  	s23 =	simm.s32 $0x1B8B  }
0xa2: {  	_ =	swait.ge [sflag:s23], $0x1  }
0xa3: {  	[sflag:s23] =	ssyncset.done $0x0  }
0xa4: {  	s25 =	simm.s32 $0x1B8E;
	s24 =	sld [smem:$0x3FFE];
	[sflag:s23] =	ssyncadd.s32 $0xFFFFFFFF  }
0xa5: {  	s26 =	simm.s32 $execute0_lowered;
	[smem:$0x3FD2] =	sst s25  }
0xa6: {  	s5 =	sshll.u32 s26, $0x1;
	_ =	strace $0x80000046;
	[dreg:$0x1] =	wrdreg $0xFFFFFFFF  }
0xa7: {  	s28 =	simm.s32 $_size_execute0_lowered;
	s3 =	sadd.s32 s3, s5;
	[dreg:$0x0] =	wrdreg $0x0  }
0xa8: {  	s5 =	sshll.u32 s28, $0x1;
	[dreg:$0x2] =	wrdreg s3  }
0xa9: {  	[dreg:$0x3] =	wrdreg s5  }
0xaa: {  	[dreg:$0x4] =	wrdreg $0xC0  }
0xab: {  	_ =	task [dreg:s7], $0x5FFFF  }
0xac: {  	[dreg:$0x1] =	wrdreg $0xFFFFFFFF  }
0xad: {  	[dreg:$0x0] =	wrdreg $0x60  }
0xae: {  	[dreg:$0x2] =	wrdreg s2  }
0xaf: {  	[dreg:$0x3] =	wrdreg s24  }
0xb0: {  	[dreg:$0x4] =	wrdreg $0x9  }
0xb1: {  	_ =	task.clear_ibuf [dreg:s7], $0x5FFFF;
	_ =	strace $0x90000046  }
0xb2: {  	s29 =	simm.s32 $0x9;
	_ =	strace $0x80000048  }
0xb3: {  	_ =	swait.ge [sflag:s29], $0x1  }
0xb4: {  	[sflag:s29] =	ssyncadd.s32 $0xFFFFFFFF  }
0xb5: {  	_ =	strace $0x90000048  }
0xb6: {  	_ =	sfence  }
0xb7: {  	s30 =	sld [smem:$0x0];
	_ =	sdelay $0x2  }
0xb8: {  	s31 =	sshll.u32 s1, $0xD;
	s1 =	sshrl.u32 s1, $0x2  }
0xb9: {  	s3 =	sand.u32 $0x4000, s31;
	s1 =	sadd.s32 s1, s30  }
0xba: {  	s0 =	sor.u32 s3, s0;
	s1 =	sshll.u32 s1, $0x11  }
0xbb: {  	s0 =	sor.u32 s1, s0  }
0xbc: {  	s0 =	sadd.s32 $0x8F2B, s0  }
0xbd: {  	[sflag:s0] =	ssyncadd.remote.s32 $0x1  }
0xbe: {  	_ =	sfence.sel $0xFFFF  }
0xbf: {  	[dreg:$0x0] =	wrdreg $0xFFFFFFFF;
	(pc) =	sbr.abs _section_cstart, $3  }
0xc0: {  	[dreg:$0x1] =	wrdreg $0xFFFFFFFF  }
0xc1: {  	_ =	task.clear_ibuf [dreg:s7], $0x2FFFF;
	_ =	strace $0x9FFFFFFF  }
0xc2: {  	(tm) =	ssettm $0x7FFFFFFF  }
0xc3: {  	_ =	shalt  }
tec
execute0_lowered:
.L_overlay_start_1:
0x0: {  	(tag) =	ssettag $0x1  }
0x1: {  	s3 =	rddreg [dreg:$0x0]  }
0x2: {  	s0 =	rddreg [dreg:$0x1]  }
0x3: {  	s24 =	rddreg [dreg:$0x2];
	s2 =	simm.s32 $0x0  }
0x4: {  	[smem:$0x7FF] =	sst s2;
	s7 =	sadd.s32 $0x3200, s0  }
0x5: {  	s16 =	sadd.s32 $0xB200, s0;
	_ =	strace $0x80000047;
	[dreg:$0x3] =	wrdreg s7  }
0x6: {  	s21 =	simm.s32 $0x80;
	[dreg:$0x4] =	wrdreg s16  }
0x7: {  	s4 =	srdreg.scid;
	s22 =	simm.s32 $0xA00;
	[dreg:$0xa] =	wrdreg s21  }
0x8: {  	s25 =	stileid.u32;
	s23 =	simm.s32 $0x1200;
	[dreg:$0xb] =	wrdreg s22  }
0x9: {  	s26 =	simm.s32 $0x1A00;
	s1 =	simm.s32 $0x2200;
	[dreg:$0xc] =	wrdreg s23  }
0xa: {  	s9 =	simm.s32 $0x4A00;
	s10 =	simm.s32 $0x5200;
	[dreg:$0xd] =	wrdreg s26  }
0xb: {  	s12 =	simm.s32 $0x5A00;
	s13 =	simm.s32 $0x6200;
	[dreg:$0xe] =	wrdreg s1  }
0xc: {  	s14 =	simm.s32 $0x6A00;
	s15 =	simm.s32 $0x7200;
	[dreg:$0x13] =	wrdreg s9  }
0xd: {  	p0 =	por $0x0, $0x0;
	s29 =	simm.s32 $0x180;
	[dreg:$0x14] =	wrdreg s10  }
0xe: {  	s31 =	simm.s32 $0x1;
	s30 =	simm.s32 $0x2;
	[dreg:$0x15] =	wrdreg s12  }
0xf: {  	s28 =	simm.s32 $0x3;
	s4 =	sand.u32 $0x1, s4;
	[dreg:$0x16] =	wrdreg s13  }
0x10: {  	s5 =	sshll.u32 s25, $0x5;
	s6 =	sshll.u32 s4, $0x4;
	[dreg:$0x17] =	wrdreg s14  }
0x11: {  	s7 =	simm.s32 $0x3A00;
	s4 =	ssub.s32 $0x2, s4;
	[dreg:$0x18] =	wrdreg s15  }
0x12: {  	s16 =	simm.s32 $0x7A00;
	s9 =	sadd.s32 $0x500, s3;
	s10 =	sadd.s32 $0x600, s3  }
0x13: {  	s12 =	sadd.s32 $0x800, s3;
	s21 =	simm.s32 $0xA200;
	[dreg:$0x11] =	wrdreg s7  }
0x14: {  	s13 =	sadd.s32 $0x900, s3;
	s22 =	simm.s32 $0xAA00;
	[dreg:$0x19] =	wrdreg s16  }
0x15: {  	s14 =	sadd.s32 $0xA00, s3;
	s23 =	simm.s32 $0xB200;
	[dreg:$0x1e] =	wrdreg s21  }
0x16: {  	s15 =	sadd.s32 $0xB00, s3;
	s26 =	simm.s32 $0xBA00;
	[dreg:$0x1f] =	wrdreg s22  }
0x17: {  	s1 =	simm.s32 $0xC200;
	s5 =	sor.u32 s6, s5;
	[smem:$0x7F6] =	sst s23  }
0x18: {  	s11 =	sshrl.u32 s4, $0x1;
	s7 =	sadd.s32 $0x300, s3;
	[smem:$0x7F7] =	sst s26  }
0x19: {  	s16 =	sadd.s32 $0xC00, s3;
	[smem:$0x7F8] =	sst s1;
	s22 =	simm.s32 $0xDA00  }
0x1a: {  	s23 =	simm.s32 $0xE200;
	s26 =	simm.s32 $0xEA00;
	[smem:$0x7FB] =	sst s22  }
0x1b: {  	s6 =	sshrl.u32 s5, $0x3;
	s8 =	sshll.u32 s5, $0x9;
	[smem:$0x7FC] =	sst s23  }
0x1c: {  	s5 =	sshll.u32 s5, $0x4;
	[smem:$0x7FD] =	sst s26;
	s6 =	sadd.s32 s6, s0  }
0x1d: {  	s17 =	sadd.s32 s8, s0;
	s0 =	sadd.s32 s5, s0;
	s5 =	simm.s32 $0x2A00  }
0x1e: {  	s21 =	sadd.s32 $0xF00, s3;
	s8 =	simm.s32 $0x4200;
	[dreg:$0xf] =	wrdreg s5  }
0x1f: {  	s4 =	ssub.s32 s4, s11;
	s18 =	sadd.s32 $0x13400, s6;
	[dreg:$0x12] =	wrdreg s8  }
0x20: {  	s11 =	sadd.s32 $0x700, s3;
	s6 =	sadd.s32 $0x13200, s6;
	[dreg:$0x5] =	wrdreg s18  }
0x21: {  	s26 =	simm.s32 $0xF200;
	s19 =	sadd.s32 $0x13600, s17;
	[dreg:$0x6] =	wrdreg s6  }
0x22: {  	s23 =	simm.s32 $0x10;
	s20 =	sadd.s32 $0x53600, s0;
	[dreg:$0x7] =	wrdreg s19  }
0x23: {  	s22 =	simm.s32 $0x10200;
	s0 =	sadd.s32 $0x55600, s0;
	[dreg:$0x8] =	wrdreg s20  }
0x24: {  	s5 =	sadd.s32 $0x100, s3;
	[dreg:$0x9] =	wrdreg s0;
	s20 =	simm.s32 $0x9A00  }
0x25: {  	s8 =	sadd.s32 $0x400, s3;
	[dreg:$0x1d] =	wrdreg s20;
	s20 =	simm.s32 $0xD200  }
0x26: {  	s17 =	simm.s32 $0x8200;
	[smem:$0x7FA] =	sst s20;
	s20 =	smax.u32 s4, $0x1  }
0x27: {  	s6 =	simm.s32 $0x3200;
	[dreg:$0x1a] =	wrdreg s17;
	p1 =	sne.s32 s20, $0x1  }
.Ltmp0:
0x28: {  	s18 =	simm.s32 $0x8A00;
	[dreg:$0x10] =	wrdreg s6;
	(pc) =	sbr.rel @!p1 .LBB2_5-.Ltmp0, $4  }
0x29: {  	s19 =	simm.s32 $0x9200;
	s17 =	simm.s32 $0xCA00;
	[dreg:$0x1b] =	wrdreg s18  }
0x2a: {  	v1 =	vlaneseq.u32;
	s6 =	sadd.s32 $0x200, s3;
	[dreg:$0x1c] =	wrdreg s19;
	s18 =	sadd.s32 $0xD00, s3  }
0x2b: {  	vm0 =	vmmov $0xffff;
	v0 =	vshrl.u32 v1, $0x3;
	s19 =	sadd.s32 $0xE00, s3;
	[smem:$0x7F9] =	sst s17;
	s17 =	simm.s32 $0x200  }
0x2c: {  	v2 =	vand.u32 $0x7, v1;
	v1 =	vor.u32 $0x8, v1;
	v0 =	vmul.u32 $0x8, v0;
	s4 =	simm.s32 $0x4;
	s0 =	sadd.s32 $0xFFFFFFFF, s20;
	s20 =	simm.s32 $0x10A00  }
0x2d: {  	s1 =	rddreg [dreg:$0x5]  }
0x2e: {  	[tilespmem:s2], [sflag:$0x4] =	stream.linear.gather [hbm4b:s1+s2], $0x10, $0x38;
	[tilespmem:$0x11200] =	vst v63  }
0x2f: {  	_ =	swait.ge [sflag:s4], $0x10  }
0x30: {  	s1 =	rddreg [dreg:$0x6];
	[sflag:s4] =	ssyncset.done $0x0  }
0x31: {  	s24 =	rddreg [dreg:$0xa];
	[sflag:s4] =	ssyncadd.s32 $0xFFFFFFF0  }
0x32: {  	[tilespmem:s24], [sflag:$0x4] =	stream.linear.gather [hbm4b:s1+s2], $0x10, $0x38;
	[tilespmem:$0x11200] =	vst v63  }
0x33: {  	_ =	swait.ge [sflag:s4], $0x10  }
0x34: {  	[sflag:s4] =	ssyncset.done $0x0  }
0x35: {  	[sflag:s4] =	ssyncadd.s32 $0xFFFFFFF0  }
0x36: {  	v3 =	vld [tilespmem:$0x0];
	_ =	sdelay $0x4  }
0x37: {  	v4 =	vshll.u32 v3, $0x5  }
0x38: {  	v3 =	vand.u32 $0x7, v3;
	v4 =	vand.u32 $0xFFFFFF00, v4  }
0x39: {  	v5 =	vld [tilespmem:$0x80];
	v3 =	vor.u32 v3, v4  }
0x3a: {  	v63 =	vld [tilespmem:$0x0];
	v6 =	vperm.xlane v3, v2;
	_ =	sdelay $0x1  }
0x3b: {  	v6 =	vadd.s32 v0, v6;
	_ =	sdelay $0x1  }
0x3c: {  	v5 =	vshrl.u32 v5, $0x1  }
0x3d: {  	[tilespmem:$0x180] =	vst v5;
	v4 =	vshrl.u32 v63, $0x1  }
0x3e: {  	s24 =	rddreg [dreg:$0xb];
	[tilespmem:$0x100] =	vst v4  }
0x3f: {  	[tilespmem:s17], [sflag:$0x1] =	stream.indirect_vreg.gather [hbm4b:s3+s2], $0x80, v6, vm0, $0xb8;
	[tilespmem:$0x11200] =	vst v63  }
0x40: {  	s1 =	rddreg [dreg:$0xc]  }
0x41: {  	[tilespmem:s24], [sflag:$0x1] =	stream.indirect_vreg.gather [hbm4b:s5+s2], $0x80, v6, vm0, $0xb8;
	[tilespmem:$0x11200] =	vst v63  }
0x42: {  	s24 =	rddreg [dreg:$0xd]  }
0x43: {  	[tilespmem:s1], [sflag:$0x1] =	stream.indirect_vreg.gather [hbm4b:s6+s2], $0x80, v6, vm0, $0xb8;
	[tilespmem:$0x11200] =	vst v63  }
0x44: {  	s1 =	rddreg [dreg:$0xe]  }
0x45: {  	[tilespmem:s24], [sflag:$0x1] =	stream.indirect_vreg.gather [hbm4b:s7+s2], $0x80, v6, vm0, $0xb8;
	[tilespmem:$0x11200] =	vst v63  }
0x46: {  	s24 =	rddreg [dreg:$0xf]  }
0x47: {  	[tilespmem:s1], [sflag:$0x1] =	stream.indirect_vreg.gather [hbm4b:s8+s2], $0x80, v6, vm0, $0xb8;
	[tilespmem:$0x11200] =	vst v63  }
0x48: {  	s1 =	rddreg [dreg:$0x10]  }
0x49: {  	[tilespmem:s24], [sflag:$0x1] =	stream.indirect_vreg.gather [hbm4b:s9+s2], $0x80, v6, vm0, $0xb8;
	[tilespmem:$0x11200] =	vst v63  }
0x4a: {  	s24 =	rddreg [dreg:$0x11]  }
0x4b: {  	[tilespmem:s1], [sflag:$0x1] =	stream.indirect_vreg.gather [hbm4b:s10+s2], $0x80, v6, vm0, $0xb8;
	[tilespmem:$0x11200] =	vst v63  }
0x4c: {  	s1 =	rddreg [dreg:$0x12]  }
0x4d: {  	[tilespmem:s24], [sflag:$0x1] =	stream.indirect_vreg.gather [hbm4b:s11+s2], $0x80, v6, vm0, $0xb8;
	[tilespmem:$0x11200] =	vst v63  }
0x4e: {  	s24 =	rddreg [dreg:$0x13]  }
0x4f: {  	[tilespmem:s1], [sflag:$0x1] =	stream.indirect_vreg.gather [hbm4b:s12+s2], $0x80, v6, vm0, $0xb8;
	[tilespmem:$0x11200] =	vst v63  }
0x50: {  	s1 =	rddreg [dreg:$0x14]  }
0x51: {  	[tilespmem:s24], [sflag:$0x1] =	stream.indirect_vreg.gather [hbm4b:s13+s2], $0x80, v6, vm0, $0xb8;
	[tilespmem:$0x11200] =	vst v63  }
0x52: {  	s24 =	rddreg [dreg:$0x15]  }
0x53: {  	[tilespmem:s1], [sflag:$0x1] =	stream.indirect_vreg.gather [hbm4b:s14+s2], $0x80, v6, vm0, $0xb8;
	[tilespmem:$0x11200] =	vst v63  }
0x54: {  	s1 =	rddreg [dreg:$0x16]  }
0x55: {  	[tilespmem:s24], [sflag:$0x1] =	stream.indirect_vreg.gather [hbm4b:s15+s2], $0x80, v6, vm0, $0xb8;
	[tilespmem:$0x11200] =	vst v63  }
0x56: {  	s24 =	rddreg [dreg:$0x17]  }
0x57: {  	[tilespmem:s1], [sflag:$0x1] =	stream.indirect_vreg.gather [hbm4b:s16+s2], $0x80, v6, vm0, $0xb8;
	[tilespmem:$0x11200] =	vst v63  }
0x58: {  	v3 =	vperm.xlane v3, v1;
	s1 =	rddreg [dreg:$0x18]  }
0x59: {  	[tilespmem:s24], [sflag:$0x1] =	stream.indirect_vreg.gather [hbm4b:s18+s2], $0x80, v6, vm0, $0xb8;
	[tilespmem:$0x11200] =	vst v63  }
0x5a: {  	v3 =	vadd.s32 v0, v3;
	s24 =	rddreg [dreg:$0x19]  }
0x5b: {  	[tilespmem:s1], [sflag:$0x1] =	stream.indirect_vreg.gather [hbm4b:s19+s2], $0x80, v6, vm0, $0xb8;
	[tilespmem:$0x11200] =	vst v63  }
0x5c: {  	s1 =	rddreg [dreg:$0x1a]  }
0x5d: {  	[tilespmem:s24], [sflag:$0x1] =	stream.indirect_vreg.gather [hbm4b:s21+s2], $0x80, v6, vm0, $0xb8;
	[tilespmem:$0x11200] =	vst v63  }
0x5e: {  	s24 =	rddreg [dreg:$0x1b]  }
0x5f: {  	[tilespmem:s1], [sflag:$0x1] =	stream.indirect_vreg.gather [hbm4b:s3+s2], $0x80, v3, vm0, $0xb8;
	[tilespmem:$0x11200] =	vst v63  }
0x60: {  	s1 =	rddreg [dreg:$0x1c]  }
0x61: {  	[tilespmem:s24], [sflag:$0x1] =	stream.indirect_vreg.gather [hbm4b:s5+s2], $0x80, v3, vm0, $0xb8;
	[tilespmem:$0x11200] =	vst v63  }
0x62: {  	s24 =	rddreg [dreg:$0x1d]  }
0x63: {  	[tilespmem:s1], [sflag:$0x1] =	stream.indirect_vreg.gather [hbm4b:s6+s2], $0x80, v3, vm0, $0xb8;
	[tilespmem:$0x11200] =	vst v63  }
0x64: {  	s1 =	rddreg [dreg:$0x1e]  }
0x65: {  	[tilespmem:s24], [sflag:$0x1] =	stream.indirect_vreg.gather [hbm4b:s7+s2], $0x80, v3, vm0, $0xb8;
	[tilespmem:$0x11200] =	vst v63  }
0x66: {  	s24 =	rddreg [dreg:$0x1f]  }
0x67: {  	[tilespmem:s1], [sflag:$0x1] =	stream.indirect_vreg.gather [hbm4b:s8+s2], $0x80, v3, vm0, $0xb8;
	[tilespmem:$0x11200] =	vst v63  }
0x68: {  	s1 =	sld [smem:$0x7F6]  }
0x69: {  	[tilespmem:s24], [sflag:$0x1] =	stream.indirect_vreg.gather [hbm4b:s9+s2], $0x80, v3, vm0, $0xb8;
	[tilespmem:$0x11200] =	vst v63  }
0x6a: {  	s24 =	sld [smem:$0x7F7]  }
0x6b: {  	[tilespmem:s1], [sflag:$0x1] =	stream.indirect_vreg.gather [hbm4b:s10+s2], $0x80, v3, vm0, $0xb8;
	[tilespmem:$0x11200] =	vst v63  }
0x6c: {  	s1 =	sld [smem:$0x7F8]  }
0x6d: {  	[tilespmem:s24], [sflag:$0x1] =	stream.indirect_vreg.gather [hbm4b:s11+s2], $0x80, v3, vm0, $0xb8;
	[tilespmem:$0x11200] =	vst v63  }
0x6e: {  	s24 =	sld [smem:$0x7F9]  }
0x6f: {  	[tilespmem:s1], [sflag:$0x1] =	stream.indirect_vreg.gather [hbm4b:s12+s2], $0x80, v3, vm0, $0xb8;
	[tilespmem:$0x11200] =	vst v63  }
0x70: {  	s1 =	sld [smem:$0x7FA]  }
0x71: {  	[tilespmem:s24], [sflag:$0x1] =	stream.indirect_vreg.gather [hbm4b:s13+s2], $0x80, v3, vm0, $0xb8;
	[tilespmem:$0x11200] =	vst v63  }
0x72: {  	s24 =	sld [smem:$0x7FB]  }
0x73: {  	[tilespmem:s1], [sflag:$0x1] =	stream.indirect_vreg.gather [hbm4b:s14+s2], $0x80, v3, vm0, $0xb8;
	[tilespmem:$0x11200] =	vst v63  }
0x74: {  	s1 =	sld [smem:$0x7FC]  }
0x75: {  	[tilespmem:s24], [sflag:$0x1] =	stream.indirect_vreg.gather [hbm4b:s15+s2], $0x80, v3, vm0, $0xb8;
	[tilespmem:$0x11200] =	vst v63  }
0x76: {  	s24 =	sld [smem:$0x7FD]  }
0x77: {  	[tilespmem:s1], [sflag:$0x1] =	stream.indirect_vreg.gather [hbm4b:s16+s2], $0x80, v3, vm0, $0xb8;
	[tilespmem:$0x11200] =	vst v63  }
0x78: {  	_ = 	snop  }
0x79: {  	[tilespmem:s24], [sflag:$0x1] =	stream.indirect_vreg.gather [hbm4b:s18+s2], $0x80, v3, vm0, $0xb8;
	[tilespmem:$0x11200] =	vst v63  }
0x7a: {  	_ = 	snop  }
0x7b: {  	[tilespmem:s26], [sflag:$0x1] =	stream.indirect_vreg.gather [hbm4b:s19+s2], $0x80, v3, vm0, $0xb8;
	[tilespmem:$0x11200] =	vst v63  }
0x7c: {  	s24 =	simm.s32 $0xFA00  }
0x7d: {  	[tilespmem:s24], [sflag:$0x1] =	stream.indirect_vreg.gather [hbm4b:s21+s2], $0x80, v3, vm0, $0xb8;
	[tilespmem:$0x11200] =	vst v63  }
0x7e: {  	s25 =	smov.u32 s0;
	s0 =	rddreg [dreg:$0x3];
	s24 =	simm.s32 $0x100  }
0x7f: {  	[tilespmem:s22], [sflag:$0x2] =	stream.indirect.gather [hbm4b:s0+s23], $0x80, s24, s23, $0xb8;
	[tilespmem:$0x11200] =	vst v63  }
0x80: {  	s1 =	rddreg [dreg:$0x4]  }
0x81: {  	[tilespmem:s20], [sflag:$0x3] =	stream.indirect.gather [hbm4b:s1+s23], $0x80, s29, s23, $0xb8;
	[tilespmem:$0x11200] =	vst v63  }
0x82: {  	_ =	swait.ge [sflag:s31], $0x10000  }
0x83: {  	[sflag:s31] =	ssyncset.done $0x0  }
0x84: {  	[sflag:s31] =	ssyncadd.s32 $0xFFFF0000  }
0x85: {  	_ =	swait.ge [sflag:s30], $0x800  }
0x86: {  	[sflag:s30] =	ssyncset.done $0x0  }
0x87: {  	[sflag:s30] =	ssyncadd.s32 $0xFFFFF800  }
0x88: {  	_ =	swait.ge [sflag:s28], $0x800  }
0x89: {  	[sflag:s28] =	ssyncset.done $0x0  }
0x8a: {  	s24 =	rddreg [dreg:$0x7];
	[sflag:s28] =	ssyncadd.s32 $0xFFFFF800  }
0x8b: {  	[hbm4b:s24+s2] =	stream.linear.scatter [tilespmem:s17], [sflag:$0x4], $0x10000, $0x38;
	[tilespmem:$0x11200] =	vst v63  }
0x8c: {  	_ =	swait.ge [sflag:s4], $0x10000  }
0x8d: {  	[sflag:s4] =	ssyncset.done $0x0  }
0x8e: {  	p1 =	sne.s32 s25, $0x1;
	s1 =	rddreg [dreg:$0x8];
	[sflag:s4] =	ssyncadd.s32 $0xFFFF0000  }
0x8f: {  	[hbm4b:s1+s2] =	stream.linear.scatter [tilespmem:s22], [sflag:$0x4], $0x800, $0x38;
	[tilespmem:$0x11200] =	vst v63  }
.Ltmp1:
0x90: {  	_ =	swait.ge [sflag:s4], $0x800;
	(pc) =	sbr.rel @!p1 .LBB2_2-.Ltmp1, $4  }
0x91: {  	[sflag:s4] =	ssyncset.done $0x0  }
0x92: {  	s24 =	rddreg [dreg:$0x9];
	[sflag:s4] =	ssyncadd.s32 $0xFFFFF800  }
0x93: {  	[hbm4b:s24+s2] =	stream.linear.scatter [tilespmem:s20], [sflag:$0x4], $0x800, $0x38;
	[tilespmem:$0x11200] =	vst v63  }
0x94: {  	p0 =	por $0x1, $0x1;
	s0 =	sadd.s32 $0xFFFFFFFF, s25;
	_ =	swait.ge [sflag:s4], $0x800  }
.LBB2_3:
0x95: {  	[sflag:s4] =	ssyncset.done $0x0  }
0x96: {  	s1 =	rddreg [dreg:$0x5];
	[sflag:s4] =	ssyncadd.s32 $0xFFFFF800  }
0x97: {  	[tilespmem:s2], [sflag:$0x4] =	stream.linear.gather [hbm4b:s1+s2], $0x10, $0x38;
	[tilespmem:$0x11200] =	vst v63  }
0x98: {  	_ =	swait.ge [sflag:s4], $0x10  }
0x99: {  	s25 =	rddreg [dreg:$0x6];
	[sflag:s4] =	ssyncset.done $0x0  }
0x9a: {  	s24 =	rddreg [dreg:$0xa];
	[sflag:s4] =	ssyncadd.s32 $0xFFFFFFF0  }
0x9b: {  	[tilespmem:s24], [sflag:$0x4] =	stream.linear.gather [hbm4b:s25+s2], $0x10, $0x38;
	[tilespmem:$0x11200] =	vst v63  }
0x9c: {  	_ =	swait.ge [sflag:s4], $0x10  }
0x9d: {  	[sflag:s4] =	ssyncset.done $0x0  }
0x9e: {  	[sflag:s4] =	ssyncadd.s32 $0xFFFFFFF0  }
0x9f: {  	v3 =	vld [tilespmem:$0x0];
	_ =	sdelay $0x4  }
0xa0: {  	v4 =	vand.u32 $0x7, v3;
	v3 =	vshll.u32 v3, $0x5  }
0xa1: {  	v3 =	vand.u32 $0xFFFFFF00, v3  }
0xa2: {  	v5 =	vld [tilespmem:$0x80];
	v3 =	vor.u32 v4, v3  }
0xa3: {  	v6 =	vld [tilespmem:$0x0];
	v4 =	vperm.xlane v3, v2;
	_ =	sdelay $0x1  }
0xa4: {  	v4 =	vadd.s32 v0, v4;
	_ =	sdelay $0x1  }
0xa5: {  	v5 =	vshrl.u32 v5, $0x1  }
0xa6: {  	v6 =	vshrl.u32 v6, $0x1;
	[tilespmem:$0x180] =	vst v5  }
0xa7: {  	s1 =	rddreg [dreg:$0xb];
	[tilespmem:$0x100] =	vst v6  }
0xa8: {  	[tilespmem:s17], [sflag:$0x1] =	stream.indirect_vreg.gather [hbm4b:s3+s2], $0x80, v4, vm0, $0xb8;
	[tilespmem:$0x11200] =	vst v63  }
0xa9: {  	s24 =	rddreg [dreg:$0xc]  }
0xaa: {  	[tilespmem:s1], [sflag:$0x1] =	stream.indirect_vreg.gather [hbm4b:s5+s2], $0x80, v4, vm0, $0xb8;
	[tilespmem:$0x11200] =	vst v63  }
0xab: {  	s25 =	rddreg [dreg:$0xd]  }
0xac: {  	[tilespmem:s24], [sflag:$0x1] =	stream.indirect_vreg.gather [hbm4b:s6+s2], $0x80, v4, vm0, $0xb8;
	[tilespmem:$0x11200] =	vst v63  }
0xad: {  	s1 =	rddreg [dreg:$0xe]  }
0xae: {  	[tilespmem:s25], [sflag:$0x1] =	stream.indirect_vreg.gather [hbm4b:s7+s2], $0x80, v4, vm0, $0xb8;
	[tilespmem:$0x11200] =	vst v63  }
0xaf: {  	s24 =	rddreg [dreg:$0xf]  }
0xb0: {  	[tilespmem:s1], [sflag:$0x1] =	stream.indirect_vreg.gather [hbm4b:s8+s2], $0x80, v4, vm0, $0xb8;
	[tilespmem:$0x11200] =	vst v63  }
0xb1: {  	s25 =	rddreg [dreg:$0x10]  }
0xb2: {  	[tilespmem:s24], [sflag:$0x1] =	stream.indirect_vreg.gather [hbm4b:s9+s2], $0x80, v4, vm0, $0xb8;
	[tilespmem:$0x11200] =	vst v63  }
0xb3: {  	s1 =	rddreg [dreg:$0x11]  }
0xb4: {  	[tilespmem:s25], [sflag:$0x1] =	stream.indirect_vreg.gather [hbm4b:s10+s2], $0x80, v4, vm0, $0xb8;
	[tilespmem:$0x11200] =	vst v63  }
0xb5: {  	s24 =	rddreg [dreg:$0x12]  }
0xb6: {  	[tilespmem:s1], [sflag:$0x1] =	stream.indirect_vreg.gather [hbm4b:s11+s2], $0x80, v4, vm0, $0xb8;
	[tilespmem:$0x11200] =	vst v63  }
0xb7: {  	s25 =	rddreg [dreg:$0x13]  }
0xb8: {  	[tilespmem:s24], [sflag:$0x1] =	stream.indirect_vreg.gather [hbm4b:s12+s2], $0x80, v4, vm0, $0xb8;
	[tilespmem:$0x11200] =	vst v63  }
0xb9: {  	s1 =	rddreg [dreg:$0x14]  }
0xba: {  	[tilespmem:s25], [sflag:$0x1] =	stream.indirect_vreg.gather [hbm4b:s13+s2], $0x80, v4, vm0, $0xb8;
	[tilespmem:$0x11200] =	vst v63  }
0xbb: {  	s24 =	rddreg [dreg:$0x15]  }
0xbc: {  	[tilespmem:s1], [sflag:$0x1] =	stream.indirect_vreg.gather [hbm4b:s14+s2], $0x80, v4, vm0, $0xb8;
	[tilespmem:$0x11200] =	vst v63  }
0xbd: {  	s25 =	rddreg [dreg:$0x16]  }
0xbe: {  	[tilespmem:s24], [sflag:$0x1] =	stream.indirect_vreg.gather [hbm4b:s15+s2], $0x80, v4, vm0, $0xb8;
	[tilespmem:$0x11200] =	vst v63  }
0xbf: {  	s1 =	rddreg [dreg:$0x17]  }
0xc0: {  	[tilespmem:s25], [sflag:$0x1] =	stream.indirect_vreg.gather [hbm4b:s16+s2], $0x80, v4, vm0, $0xb8;
	[tilespmem:$0x11200] =	vst v63  }
0xc1: {  	v3 =	vperm.xlane v3, v1;
	s24 =	rddreg [dreg:$0x18]  }
0xc2: {  	[tilespmem:s1], [sflag:$0x1] =	stream.indirect_vreg.gather [hbm4b:s18+s2], $0x80, v4, vm0, $0xb8;
	[tilespmem:$0x11200] =	vst v63  }
0xc3: {  	v3 =	vadd.s32 v0, v3;
	s25 =	rddreg [dreg:$0x19]  }
0xc4: {  	[tilespmem:s24], [sflag:$0x1] =	stream.indirect_vreg.gather [hbm4b:s19+s2], $0x80, v4, vm0, $0xb8;
	[tilespmem:$0x11200] =	vst v63  }
0xc5: {  	s1 =	rddreg [dreg:$0x1a]  }
0xc6: {  	[tilespmem:s25], [sflag:$0x1] =	stream.indirect_vreg.gather [hbm4b:s21+s2], $0x80, v4, vm0, $0xb8;
	[tilespmem:$0x11200] =	vst v63  }
0xc7: {  	s24 =	rddreg [dreg:$0x1b]  }
0xc8: {  	[tilespmem:s1], [sflag:$0x1] =	stream.indirect_vreg.gather [hbm4b:s3+s2], $0x80, v3, vm0, $0xb8;
	[tilespmem:$0x11200] =	vst v63  }
0xc9: {  	s25 =	rddreg [dreg:$0x1c]  }
0xca: {  	[tilespmem:s24], [sflag:$0x1] =	stream.indirect_vreg.gather [hbm4b:s5+s2], $0x80, v3, vm0, $0xb8;
	[tilespmem:$0x11200] =	vst v63  }
0xcb: {  	s1 =	rddreg [dreg:$0x1d]  }
0xcc: {  	[tilespmem:s25], [sflag:$0x1] =	stream.indirect_vreg.gather [hbm4b:s6+s2], $0x80, v3, vm0, $0xb8;
	[tilespmem:$0x11200] =	vst v63  }
0xcd: {  	s24 =	rddreg [dreg:$0x1e]  }
0xce: {  	[tilespmem:s1], [sflag:$0x1] =	stream.indirect_vreg.gather [hbm4b:s7+s2], $0x80, v3, vm0, $0xb8;
	[tilespmem:$0x11200] =	vst v63  }
0xcf: {  	s25 =	rddreg [dreg:$0x1f]  }
0xd0: {  	[tilespmem:s24], [sflag:$0x1] =	stream.indirect_vreg.gather [hbm4b:s8+s2], $0x80, v3, vm0, $0xb8;
	[tilespmem:$0x11200] =	vst v63  }
0xd1: {  	s1 =	sld [smem:$0x7F6]  }
0xd2: {  	[tilespmem:s25], [sflag:$0x1] =	stream.indirect_vreg.gather [hbm4b:s9+s2], $0x80, v3, vm0, $0xb8;
	[tilespmem:$0x11200] =	vst v63  }
0xd3: {  	s24 =	sld [smem:$0x7F7]  }
0xd4: {  	[tilespmem:s1], [sflag:$0x1] =	stream.indirect_vreg.gather [hbm4b:s10+s2], $0x80, v3, vm0, $0xb8;
	[tilespmem:$0x11200] =	vst v63  }
0xd5: {  	s25 =	sld [smem:$0x7F8]  }
0xd6: {  	[tilespmem:s24], [sflag:$0x1] =	stream.indirect_vreg.gather [hbm4b:s11+s2], $0x80, v3, vm0, $0xb8;
	[tilespmem:$0x11200] =	vst v63  }
0xd7: {  	s1 =	sld [smem:$0x7F9]  }
0xd8: {  	[tilespmem:s25], [sflag:$0x1] =	stream.indirect_vreg.gather [hbm4b:s12+s2], $0x80, v3, vm0, $0xb8;
	[tilespmem:$0x11200] =	vst v63  }
0xd9: {  	s24 =	sld [smem:$0x7FA]  }
0xda: {  	[tilespmem:s1], [sflag:$0x1] =	stream.indirect_vreg.gather [hbm4b:s13+s2], $0x80, v3, vm0, $0xb8;
	[tilespmem:$0x11200] =	vst v63  }
0xdb: {  	s25 =	sld [smem:$0x7FB]  }
0xdc: {  	[tilespmem:s24], [sflag:$0x1] =	stream.indirect_vreg.gather [hbm4b:s14+s2], $0x80, v3, vm0, $0xb8;
	[tilespmem:$0x11200] =	vst v63  }
0xdd: {  	s1 =	sld [smem:$0x7FC]  }
0xde: {  	[tilespmem:s25], [sflag:$0x1] =	stream.indirect_vreg.gather [hbm4b:s15+s2], $0x80, v3, vm0, $0xb8;
	[tilespmem:$0x11200] =	vst v63  }
0xdf: {  	s24 =	sld [smem:$0x7FD]  }
0xe0: {  	[tilespmem:s1], [sflag:$0x1] =	stream.indirect_vreg.gather [hbm4b:s16+s2], $0x80, v3, vm0, $0xb8;
	[tilespmem:$0x11200] =	vst v63  }
0xe1: {  	_ = 	snop  }
0xe2: {  	[tilespmem:s24], [sflag:$0x1] =	stream.indirect_vreg.gather [hbm4b:s18+s2], $0x80, v3, vm0, $0xb8;
	[tilespmem:$0x11200] =	vst v63  }
0xe3: {  	_ = 	snop  }
0xe4: {  	[tilespmem:s26], [sflag:$0x1] =	stream.indirect_vreg.gather [hbm4b:s19+s2], $0x80, v3, vm0, $0xb8;
	[tilespmem:$0x11200] =	vst v63  }
0xe5: {  	s25 =	simm.s32 $0xFA00  }
0xe6: {  	[tilespmem:s25], [sflag:$0x1] =	stream.indirect_vreg.gather [hbm4b:s21+s2], $0x80, v3, vm0, $0xb8;
	[tilespmem:$0x11200] =	vst v63  }
0xe7: {  	s1 =	rddreg [dreg:$0x3];
	s25 =	simm.s32 $0x100  }
0xe8: {  	[tilespmem:s22], [sflag:$0x2] =	stream.indirect.gather [hbm4b:s1+s23], $0x80, s25, s23, $0xb8;
	[tilespmem:$0x11200] =	vst v63  }
0xe9: {  	s24 =	rddreg [dreg:$0x4]  }
0xea: {  	[tilespmem:s20], [sflag:$0x3] =	stream.indirect.gather [hbm4b:s24+s23], $0x80, s29, s23, $0xb8;
	[tilespmem:$0x11200] =	vst v63  }
0xeb: {  	_ =	swait.ge [sflag:s31], $0x10000  }
0xec: {  	[sflag:s31] =	ssyncset.done $0x0  }
0xed: {  	[sflag:s31] =	ssyncadd.s32 $0xFFFF0000  }
0xee: {  	_ =	swait.ge [sflag:s30], $0x800  }
0xef: {  	[sflag:s30] =	ssyncset.done $0x0  }
0xf0: {  	[sflag:s30] =	ssyncadd.s32 $0xFFFFF800  }
0xf1: {  	_ =	swait.ge [sflag:s28], $0x800  }
0xf2: {  	[sflag:s28] =	ssyncset.done $0x0  }
0xf3: {  	s25 =	rddreg [dreg:$0x7];
	[sflag:s28] =	ssyncadd.s32 $0xFFFFF800  }
0xf4: {  	[hbm4b:s25+s2] =	stream.linear.scatter [tilespmem:s17], [sflag:$0x4], $0x10000, $0x38;
	[tilespmem:$0x11200] =	vst v63  }
0xf5: {  	_ =	swait.ge [sflag:s4], $0x10000  }
0xf6: {  	[sflag:s4] =	ssyncset.done $0x0  }
0xf7: {  	p1 =	sne.s32 s0, $0x1;
	s24 =	rddreg [dreg:$0x8];
	[sflag:s4] =	ssyncadd.s32 $0xFFFF0000  }
0xf8: {  	[hbm4b:s24+s2] =	stream.linear.scatter [tilespmem:s22], [sflag:$0x4], $0x800, $0x38;
	[tilespmem:$0x11200] =	vst v63  }
.Ltmp2:
0xf9: {  	_ =	swait.ge [sflag:s4], $0x800;
	(pc) =	sbr.rel @p1 .LBB2_3-.Ltmp2, $4  }
0xfa: {  	[sflag:s4] =	ssyncset.done $0x0  }
0xfb: {  	s25 =	rddreg [dreg:$0x9];
	[sflag:s4] =	ssyncadd.s32 $0xFFFFF800  }
0xfc: {  	[hbm4b:s25+s2] =	stream.linear.scatter [tilespmem:s20], [sflag:$0x4], $0x800, $0x38;
	[tilespmem:$0x11200] =	vst v63  }
0xfd: {  	s0 =	sadd.s32 $0xFFFFFFFF, s0;
	_ =	swait.ge [sflag:s4], $0x800  }
0xfe: {  	s24 =	rddreg [dreg:$0x2];
	s25 =	stileid.u32  }
.LBB2_5:
0xff: {  	[sflag:s4] =	ssyncset.done @p0 $0x0  }
0x100: {  	s0 =	rddreg [dreg:$0x5];
	[sflag:s4] =	ssyncadd.s32 @p0 $0xFFFFF800  }
0x101: {  	[tilespmem:s2], [sflag:$0x4] =	stream.linear.gather [hbm4b:s0+s2], $0x10, $0x38;
	[tilespmem:$0x11200] =	vst v63  }
0x102: {  	_ =	swait.ge [sflag:s4], $0x10  }
0x103: {  	s0 =	rddreg [dreg:$0x6];
	[sflag:s4] =	ssyncset.done $0x0  }
0x104: {  	s1 =	rddreg [dreg:$0xa];
	[sflag:s4] =	ssyncadd.s32 $0xFFFFFFF0  }
0x105: {  	[tilespmem:s1], [sflag:$0x4] =	stream.linear.gather [hbm4b:s0+s2], $0x10, $0x38;
	[tilespmem:$0x11200] =	vst v63  }
0x106: {  	_ =	swait.ge [sflag:s4], $0x10  }
0x107: {  	[sflag:s4] =	ssyncset.done $0x0  }
0x108: {  	[sflag:s4] =	ssyncadd.s32 $0xFFFFFFF0  }
0x109: {  	v3 =	vld [tilespmem:$0x0];
	_ =	sdelay $0x4  }
0x10a: {  	v4 =	vshll.u32 v3, $0x5  }
0x10b: {  	v3 =	vand.u32 $0x7, v3;
	v4 =	vand.u32 $0xFFFFFF00, v4  }
0x10c: {  	v5 =	vld [tilespmem:$0x80];
	v3 =	vor.u32 v3, v4  }
0x10d: {  	v62 =	vld [tilespmem:$0x0];
	v2 =	vperm.xlane v3, v2;
	_ =	sdelay $0x1  }
0x10e: {  	v2 =	vadd.s32 v0, v2;
	_ =	sdelay $0x1  }
0x10f: {  	v5 =	vshrl.u32 v5, $0x1  }
0x110: {  	[tilespmem:$0x180] =	vst v5;
	v4 =	vshrl.u32 v62, $0x1  }
0x111: {  	s0 =	rddreg [dreg:$0xb];
	[tilespmem:$0x100] =	vst v4  }
0x112: {  	[tilespmem:s17], [sflag:$0x1] =	stream.indirect_vreg.gather [hbm4b:s3+s2], $0x80, v2, vm0, $0xb8;
	[tilespmem:$0x11200] =	vst v63  }
0x113: {  	s1 =	rddreg [dreg:$0xc]  }
0x114: {  	[tilespmem:s0], [sflag:$0x1] =	stream.indirect_vreg.gather [hbm4b:s5+s2], $0x80, v2, vm0, $0xb8;
	[tilespmem:$0x11200] =	vst v63  }
0x115: {  	s0 =	rddreg [dreg:$0xd]  }
0x116: {  	[tilespmem:s1], [sflag:$0x1] =	stream.indirect_vreg.gather [hbm4b:s6+s2], $0x80, v2, vm0, $0xb8;
	[tilespmem:$0x11200] =	vst v63  }
0x117: {  	s1 =	rddreg [dreg:$0xe]  }
0x118: {  	[tilespmem:s0], [sflag:$0x1] =	stream.indirect_vreg.gather [hbm4b:s7+s2], $0x80, v2, vm0, $0xb8;
	[tilespmem:$0x11200] =	vst v63  }
0x119: {  	s0 =	rddreg [dreg:$0xf]  }
0x11a: {  	[tilespmem:s1], [sflag:$0x1] =	stream.indirect_vreg.gather [hbm4b:s8+s2], $0x80, v2, vm0, $0xb8;
	[tilespmem:$0x11200] =	vst v63  }
0x11b: {  	s1 =	rddreg [dreg:$0x10]  }
0x11c: {  	[tilespmem:s0], [sflag:$0x1] =	stream.indirect_vreg.gather [hbm4b:s9+s2], $0x80, v2, vm0, $0xb8;
	[tilespmem:$0x11200] =	vst v63  }
0x11d: {  	s0 =	rddreg [dreg:$0x11]  }
0x11e: {  	[tilespmem:s1], [sflag:$0x1] =	stream.indirect_vreg.gather [hbm4b:s10+s2], $0x80, v2, vm0, $0xb8;
	[tilespmem:$0x11200] =	vst v63  }
0x11f: {  	s1 =	rddreg [dreg:$0x12]  }
0x120: {  	[tilespmem:s0], [sflag:$0x1] =	stream.indirect_vreg.gather [hbm4b:s11+s2], $0x80, v2, vm0, $0xb8;
	[tilespmem:$0x11200] =	vst v63  }
0x121: {  	s0 =	rddreg [dreg:$0x13]  }
0x122: {  	[tilespmem:s1], [sflag:$0x1] =	stream.indirect_vreg.gather [hbm4b:s12+s2], $0x80, v2, vm0, $0xb8;
	[tilespmem:$0x11200] =	vst v63  }
0x123: {  	s1 =	rddreg [dreg:$0x14]  }
0x124: {  	[tilespmem:s0], [sflag:$0x1] =	stream.indirect_vreg.gather [hbm4b:s13+s2], $0x80, v2, vm0, $0xb8;
	[tilespmem:$0x11200] =	vst v63  }
0x125: {  	s0 =	rddreg [dreg:$0x15]  }
0x126: {  	[tilespmem:s1], [sflag:$0x1] =	stream.indirect_vreg.gather [hbm4b:s14+s2], $0x80, v2, vm0, $0xb8;
	[tilespmem:$0x11200] =	vst v63  }
0x127: {  	s1 =	rddreg [dreg:$0x16]  }
0x128: {  	[tilespmem:s0], [sflag:$0x1] =	stream.indirect_vreg.gather [hbm4b:s15+s2], $0x80, v2, vm0, $0xb8;
	[tilespmem:$0x11200] =	vst v63  }
0x129: {  	s0 =	rddreg [dreg:$0x17]  }
0x12a: {  	[tilespmem:s1], [sflag:$0x1] =	stream.indirect_vreg.gather [hbm4b:s16+s2], $0x80, v2, vm0, $0xb8;
	[tilespmem:$0x11200] =	vst v63  }
0x12b: {  	v1 =	vperm.xlane v3, v1;
	s1 =	rddreg [dreg:$0x18]  }
0x12c: {  	[tilespmem:s0], [sflag:$0x1] =	stream.indirect_vreg.gather [hbm4b:s18+s2], $0x80, v2, vm0, $0xb8;
	[tilespmem:$0x11200] =	vst v63  }
0x12d: {  	v63 =	vadd.s32 v0, v1;
	s0 =	rddreg [dreg:$0x19]  }
0x12e: {  	[tilespmem:s1], [sflag:$0x1] =	stream.indirect_vreg.gather [hbm4b:s19+s2], $0x80, v2, vm0, $0xb8;
	[tilespmem:$0x11200] =	vst v63  }
0x12f: {  	s1 =	rddreg [dreg:$0x1a]  }
0x130: {  	[tilespmem:s0], [sflag:$0x1] =	stream.indirect_vreg.gather [hbm4b:s21+s2], $0x80, v2, vm0, $0xb8;
	[tilespmem:$0x11200] =	vst v63  }
0x131: {  	s0 =	rddreg [dreg:$0x1b]  }
0x132: {  	[tilespmem:s1], [sflag:$0x1] =	stream.indirect_vreg.gather [hbm4b:s3+s2], $0x80, v63, vm0, $0xb8;
	[tilespmem:$0x11200] =	vst v63  }
0x133: {  	s3 =	rddreg [dreg:$0x1c]  }
0x134: {  	[tilespmem:s0], [sflag:$0x1] =	stream.indirect_vreg.gather [hbm4b:s5+s2], $0x80, v63, vm0, $0xb8;
	[tilespmem:$0x11200] =	vst v63  }
0x135: {  	s5 =	rddreg [dreg:$0x1d]  }
0x136: {  	[tilespmem:s3], [sflag:$0x1] =	stream.indirect_vreg.gather [hbm4b:s6+s2], $0x80, v63, vm0, $0xb8;
	[tilespmem:$0x11200] =	vst v63  }
0x137: {  	s6 =	rddreg [dreg:$0x1e]  }
0x138: {  	[tilespmem:s5], [sflag:$0x1] =	stream.indirect_vreg.gather [hbm4b:s7+s2], $0x80, v63, vm0, $0xb8;
	[tilespmem:$0x11200] =	vst v63  }
0x139: {  	s7 =	rddreg [dreg:$0x1f]  }
0x13a: {  	[tilespmem:s6], [sflag:$0x1] =	stream.indirect_vreg.gather [hbm4b:s8+s2], $0x80, v63, vm0, $0xb8;
	[tilespmem:$0x11200] =	vst v63  }
0x13b: {  	s8 =	sld [smem:$0x7F6]  }
0x13c: {  	[tilespmem:s7], [sflag:$0x1] =	stream.indirect_vreg.gather [hbm4b:s9+s2], $0x80, v63, vm0, $0xb8;
	[tilespmem:$0x11200] =	vst v63  }
0x13d: {  	s9 =	sld [smem:$0x7F7]  }
0x13e: {  	[tilespmem:s8], [sflag:$0x1] =	stream.indirect_vreg.gather [hbm4b:s10+s2], $0x80, v63, vm0, $0xb8;
	[tilespmem:$0x11200] =	vst v63  }
0x13f: {  	s10 =	sld [smem:$0x7F8]  }
0x140: {  	[tilespmem:s9], [sflag:$0x1] =	stream.indirect_vreg.gather [hbm4b:s11+s2], $0x80, v63, vm0, $0xb8;
	[tilespmem:$0x11200] =	vst v63  }
0x141: {  	s11 =	sld [smem:$0x7F9]  }
0x142: {  	[tilespmem:s10], [sflag:$0x1] =	stream.indirect_vreg.gather [hbm4b:s12+s2], $0x80, v63, vm0, $0xb8;
	[tilespmem:$0x11200] =	vst v63  }
0x143: {  	s12 =	sld [smem:$0x7FA]  }
0x144: {  	[tilespmem:s11], [sflag:$0x1] =	stream.indirect_vreg.gather [hbm4b:s13+s2], $0x80, v63, vm0, $0xb8;
	[tilespmem:$0x11200] =	vst v63  }
0x145: {  	s13 =	sld [smem:$0x7FB]  }
0x146: {  	[tilespmem:s12], [sflag:$0x1] =	stream.indirect_vreg.gather [hbm4b:s14+s2], $0x80, v63, vm0, $0xb8;
	[tilespmem:$0x11200] =	vst v63  }
0x147: {  	s14 =	sld [smem:$0x7FC]  }
0x148: {  	[tilespmem:s13], [sflag:$0x1] =	stream.indirect_vreg.gather [hbm4b:s15+s2], $0x80, v63, vm0, $0xb8;
	[tilespmem:$0x11200] =	vst v63  }
0x149: {  	s15 =	sld [smem:$0x7FD]  }
0x14a: {  	[tilespmem:s14], [sflag:$0x1] =	stream.indirect_vreg.gather [hbm4b:s16+s2], $0x80, v63, vm0, $0xb8;
	[tilespmem:$0x11200] =	vst v63  }
0x14b: {  	_ = 	snop  }
0x14c: {  	[tilespmem:s15], [sflag:$0x1] =	stream.indirect_vreg.gather [hbm4b:s18+s2], $0x80, v63, vm0, $0xb8;
	[tilespmem:$0x11200] =	vst v63  }
0x14d: {  	_ = 	snop  }
0x14e: {  	[tilespmem:s26], [sflag:$0x1] =	stream.indirect_vreg.gather [hbm4b:s19+s2], $0x80, v63, vm0, $0xb8;
	[tilespmem:$0x11200] =	vst v63  }
0x14f: {  	s19 =	simm.s32 $0xFA00  }
0x150: {  	[tilespmem:s19], [sflag:$0x1] =	stream.indirect_vreg.gather [hbm4b:s21+s2], $0x80, v63, vm0, $0xb8;
	[tilespmem:$0x11200] =	vst v63  }
0x151: {  	s18 =	rddreg [dreg:$0x3];
	s26 =	simm.s32 $0x100  }
0x152: {  	[tilespmem:s22], [sflag:$0x2] =	stream.indirect.gather [hbm4b:s18+s23], $0x80, s26, s23, $0xb8;
	[tilespmem:$0x11200] =	vst v63  }
0x153: {  	s21 =	rddreg [dreg:$0x4]  }
0x154: {  	[tilespmem:s20], [sflag:$0x3] =	stream.indirect.gather [hbm4b:s21+s23], $0x80, s29, s23, $0xb8;
	[tilespmem:$0x11200] =	vst v63  }
0x155: {  	_ =	swait.ge [sflag:s31], $0x10000  }
0x156: {  	[sflag:s31] =	ssyncset.done $0x0  }
0x157: {  	[sflag:s31] =	ssyncadd.s32 $0xFFFF0000  }
0x158: {  	_ =	swait.ge [sflag:s30], $0x800  }
0x159: {  	[sflag:s30] =	ssyncset.done $0x0  }
0x15a: {  	[sflag:s30] =	ssyncadd.s32 $0xFFFFF800  }
0x15b: {  	_ =	swait.ge [sflag:s28], $0x800  }
0x15c: {  	[sflag:s28] =	ssyncset.done $0x0  }
0x15d: {  	s29 =	rddreg [dreg:$0x7];
	[sflag:s28] =	ssyncadd.s32 $0xFFFFF800  }
0x15e: {  	[hbm4b:s29+s2] =	stream.linear.scatter [tilespmem:s17], [sflag:$0x4], $0x10000, $0x38;
	[tilespmem:$0x11200] =	vst v63  }
0x15f: {  	_ =	swait.ge [sflag:s4], $0x10000  }
0x160: {  	[sflag:s4] =	ssyncset.done $0x0  }
0x161: {  	s30 =	rddreg [dreg:$0x8];
	[sflag:s4] =	ssyncadd.s32 $0xFFFF0000  }
0x162: {  	[hbm4b:s30+s2] =	stream.linear.scatter [tilespmem:s22], [sflag:$0x4], $0x800, $0x38;
	[tilespmem:$0x11200] =	vst v63  }
0x163: {  	_ =	swait.ge [sflag:s4], $0x800  }
0x164: {  	[sflag:s4] =	ssyncset.done $0x0  }
0x165: {  	s31 =	rddreg [dreg:$0x9];
	[sflag:s4] =	ssyncadd.s32 $0xFFFFF800  }
0x166: {  	[hbm4b:s31+s2] =	stream.linear.scatter [tilespmem:s20], [sflag:$0x4], $0x800, $0x38;
	[tilespmem:$0x11200] =	vst v63  }
0x167: {  	_ =	swait.ge [sflag:s4], $0x800  }
0x168: {  	[sflag:s4] =	ssyncset.done $0x0  }
0x169: {  	[sflag:s4] =	ssyncadd.s32 $0xFFFFF800  }
0x16a: {  	_ =	sfence.sel $0x180000  }
0x16b: {  	[bflag:$0x0] =	sbarrier.arrive $0xFFFF  }
0x16c: {  	p0 =	sne.s32 s25, $0x0;
	_ =	strace $0x90000047  }
0x16d: {  	s0 =	sadd.s32 @!p0 $0x100000, s24;
	[bflag:$0x2] =	sbarrier.arrive $0xFFFF  }
0x16e: {  	[sflag:s0] =	ssyncadd.tile.s32 @!p0 $0x1;
	_ =	shalt  }
.LBB2_2:
.Ltmp3:
0x16f: {  	(pc) =	sbr.rel .LBB2_5-.Ltmp3, $2  }
0x170: {  	_ =	sdelay $0x2  }
0x171: {  	s24 =	rddreg [dreg:$0x2];
	s25 =	stileid.u32  }
.Lfunc_end2:
_tile_overlayer_lowered:
.L_overlay_start_2:
0x172: {  	(tag) =	ssettag $0x2  }
0x173: {  	s0 =	rddreg [dreg:$0x0];
	s2 =	stileid.u32  }
0x174: {  	s1 =	rddreg [dreg:$0x1];
	p0 =	sne.s32 s2, $0x0  }
0x175: {  	s3 =	rddreg [dreg:$0x2];
	[bflag:$0x3] =	sbarrier.arrive $0xFFFF;
	s2 =	simm.s32 @!p0 $0x1C04  }
0x176: {  	[timem:s3], [sflag:s2] =	dma.local @!p0 [hbm:s0], s1  }
0x177: {  	s0 =	simm.s32 @!p0 $0x4  }
0x178: {  	_ =	swait.ge @!p0 [sflag:s0], s1  }
0x179: {  	s1 =	ssub.s32 @!p0 $0x0, s1;
	[sflag:s0] =	ssyncset.done @!p0 $0x0  }
0x17a: {  	[sflag:s0] =	ssyncadd.s32 @!p0 s1  }
0x17b: {  	[bflag:$0x3] =	sbarrier.arrive $0xFFFF  }
0x17c: {  	_ =	shalt  }

</sc_bundles>
